<compile_context>
chip_gen: v7x
topology: tpu7x:2x2x1
jax: 0.10.2.dev20260603
libtpu: 0.0.44.dev20260713+nightly
codegen_flags: <defaults>
</compile_context>

<pallas_src>
import jax
import jax.numpy as jnp
from jax.experimental import pallas as pl
from jax.experimental.pallas import tpu as pltpu
from jax._src.pallas.mosaic.primitives import make_async_copy as _mk_copy

_B = 1024
_HID_CNN = 32
_NUM_OBJ = 5
_HID = 512
_EMB = 32
_MLP_IN = 25
_NP = 25
_L1 = 160
_LH = 800

_BB1 = 256
_G1 = _B // _BB1
_BB2 = 256
_G2 = _B // _BB2

_EPS = 1e-5


def _c1_body(x_ref, m_ref, b1_ref, h_ref, st_ref):
    xf = x_ref[...].reshape(_BB1, 8192)
    hs = []
    for i in range(5):
        acc = None
        for c in range(3):
            k = c * 5 + i
            x = xf[:, k * 500:(k + 1) * 500]
            p = jnp.dot(x, m_ref[c], preferred_element_type=jnp.float32)
            acc = p if acc is None else acc + p
        hs.append(acc + b1_ref[...])
    h = jnp.concatenate(hs, axis=1)
    h_ref[...] = h
    st = jnp.concatenate(
        [jnp.sum(h, axis=0, keepdims=True),
         jnp.sum(h * h, axis=0, keepdims=True)], axis=0)

    @pl.when(pl.program_id(0) == 0)
    def _():
        st_ref[...] = st

    @pl.when(pl.program_id(0) > 0)
    def _():
        st_ref[...] += st


def _c2_body(h_ref, st_ref, fold_ref, spread_ref, g_ref, bt_ref, w2_ref,
             b2_ref, f1_ref, f1b_ref, f2_ref, f2b_ref, lg_ref, lb_ref,
             f3_ref, f3b_ref, o_ref):
    n = jnp.float32(_B * _NP)
    stf = jnp.dot(st_ref[...], fold_ref[...],
                  preferred_element_type=jnp.float32)
    mean = stf[0:1, :] / n
    var = stf[1:2, :] / n - mean * mean
    sc32 = g_ref[...] * jax.lax.rsqrt(var + _EPS)
    sh32 = bt_ref[...] - mean * sc32
    sc = jnp.dot(sc32, spread_ref[...],
                 preferred_element_type=jnp.float32)
    sh = jnp.dot(sh32, spread_ref[...],
                 preferred_element_type=jnp.float32)

    r = jnp.maximum(h_ref[...] * sc + sh, 0.0)
    s = jnp.dot(r, w2_ref[...], preferred_element_type=jnp.float32)
    s = jax.nn.sigmoid(s + b2_ref[...])

    for o2 in range(_NUM_OBJ):
        x = s[:, o2 * _MLP_IN:(o2 + 1) * _MLP_IN]
        x = jnp.dot(x, f1_ref[...], preferred_element_type=jnp.float32)
        x = jnp.maximum(x + f1b_ref[...], 0.0)
        x = jnp.dot(x, f2_ref[...], preferred_element_type=jnp.float32)
        x = x + f2b_ref[...]

        mu = jnp.mean(x, axis=-1, keepdims=True)
        d = x - mu
        v = jnp.mean(d * d, axis=-1, keepdims=True)
        x = d * jax.lax.rsqrt(v + _EPS) * lg_ref[...] + lb_ref[...]
        x = jnp.maximum(x, 0.0)

        o = jnp.dot(x, f3_ref[...], preferred_element_type=jnp.float32)
        o_ref[o2, :, :] = o + f3b_ref[...]


def kernel(obs, cnn1_w, cnn1_b, bn1_g, bn1_b, cnn2_w, cnn2_b,
           fc1_w, fc1_b, fc2_w, fc2_b, ln_g, ln_b, fc3_w, fc3_b):

    w4 = cnn1_w.transpose(1, 2, 3, 0)
    eye5 = jnp.eye(5, dtype=obs.dtype)
    m6 = w4[:, :, None, :, None, :] * eye5[None, None, :, None, :, None]
    m = m6.reshape(3, 500, _L1)
    b1 = jnp.tile(cnn1_b, _NP // 5).reshape(1, _L1)

    w2m = cnn2_w.reshape(_NUM_OBJ, _HID_CNN)
    eye25 = jnp.eye(_NP, dtype=obs.dtype)
    w2big = (eye25[:, None, None, :] * w2m.T[None, :, :, None]
             ).reshape(_LH, _NUM_OBJ * _NP)
    b2 = jnp.repeat(cnn2_b, _NP).reshape(1, _NUM_OBJ * _NP)

    f1 = fc1_w.T
    f2 = fc2_w.T
    f3 = fc3_w.T

    fold = jnp.tile(jnp.eye(_HID_CNN, dtype=obs.dtype), (_NP, 1))
    spread = fold.T

    h_pre, st = pl.pallas_call(
        _c1_body,
        grid=(_G1,),
        in_specs=[
            pl.BlockSpec((_BB1, 64, 128), lambda i: (i, 0, 0)),
            pl.BlockSpec((3, 500, _L1), lambda i: (0, 0, 0)),
            pl.BlockSpec((1, _L1), lambda i: (0, 0)),
        ],
        out_specs=[
            pl.BlockSpec((_BB1, _LH), lambda i: (i, 0)),
            pl.BlockSpec((2, _LH), lambda i: (0, 0)),
        ],
        out_shape=[
            jax.ShapeDtypeStruct((_B, _LH), jnp.float32),
            jax.ShapeDtypeStruct((2, _LH), jnp.float32),
        ],
    )(jnp.pad(obs.reshape(_B, 7500), ((0, 0), (0, 692))).reshape(_B, 64, 128),
      m, b1)

    rep = lambda i: (0, 0)
    out = pl.pallas_call(
        _c2_body,
        grid=(_G2,),
        in_specs=[
            pl.BlockSpec((_BB2, _LH), lambda i: (i, 0)),
            pl.BlockSpec((2, _LH), rep),
            pl.BlockSpec((_LH, _HID_CNN), rep),
            pl.BlockSpec((_HID_CNN, _LH), rep),
            pl.BlockSpec((1, _HID_CNN), rep),
            pl.BlockSpec((1, _HID_CNN), rep),
            pl.BlockSpec((_LH, _NUM_OBJ * _NP), rep),
            pl.BlockSpec((1, _NUM_OBJ * _NP), rep),
            pl.BlockSpec((_MLP_IN, _HID), rep),
            pl.BlockSpec((1, _HID), rep),
            pl.BlockSpec((_HID, _HID), rep),
            pl.BlockSpec((1, _HID), rep),
            pl.BlockSpec((1, _HID), rep),
            pl.BlockSpec((1, _HID), rep),
            pl.BlockSpec((_HID, _EMB), rep),
            pl.BlockSpec((1, _EMB), rep),
        ],
        out_specs=pl.BlockSpec((_NUM_OBJ, _BB2, _EMB), lambda i: (0, i, 0)),
        out_shape=jax.ShapeDtypeStruct((_NUM_OBJ, _B, _EMB), jnp.float32),
    )(h_pre, st, fold, spread, bn1_g.reshape(1, -1), bn1_b.reshape(1, -1),
      w2big, b2, f1, fc1_b.reshape(1, -1), f2, fc2_b.reshape(1, -1),
      ln_g.reshape(1, -1), ln_b.reshape(1, -1), f3, fc3_b.reshape(1, -1))

    return out.transpose(1, 0, 2)

# --- scband reference (transcript-rebuilt; emitter-appended) ---
"""Pipeline reference for scband-contrastive-swm-41300405518352 (READ-ONLY COPY).

The authoritative reference and input builder live on the scoring server;
editing this copy changes nothing except your own understanding.
"""

import jax, jax.numpy as jnp
import numpy as np

B, C, H, W = 1024, 3, 50, 50
HID_CNN = 32  # hidden_dim // 16 as in original C-SWM for CNN extractor
NUM_OBJ = 5
HID = 512
EMB = 32
MLP_IN = 25  # (50//10) * (50//10) after stride-10 conv


def _conv(x, w, b, stride):
    y = jax.lax.conv_general_dilated(x, w, (stride, stride), 'VALID',
                                     dimension_numbers=('NCHW', 'OIHW', 'NCHW'))
    return y + b[None, :, None, None]


def setup_inputs(seed: int = 0):
    key = jax.random.key(seed)
    ks = jax.random.split(key, 16)
    inp = {}
    inp['obs'] = jax.random.normal(ks[0], (B, C, H, W), dtype=jnp.float32)
    # EncoderCNNSmall params
    inp['cnn1_w'] = jax.random.normal(ks[1], (HID_CNN, C, 10, 10), dtype=jnp.float32) * 0.05
    inp['cnn1_b'] = jnp.zeros((HID_CNN,), jnp.float32)
    inp['bn1_g'] = jnp.ones((HID_CNN,), jnp.float32)
    inp['bn1_b'] = jnp.zeros((HID_CNN,), jnp.float32)
    inp['cnn2_w'] = jax.random.normal(ks[2], (NUM_OBJ, HID_CNN, 1, 1), dtype=jnp.float32) * 0.05
    inp['cnn2_b'] = jnp.zeros((NUM_OBJ,), jnp.float32)
    # EncoderMLP params
    inp['fc1_w'] = jax.random.normal(ks[3], (HID, MLP_IN), dtype=jnp.float32) * (1.0 / np.sqrt(MLP_IN))
    inp['fc1_b'] = jnp.zeros((HID,), jnp.float32)
    inp['fc2_w'] = jax.random.normal(ks[4], (HID, HID), dtype=jnp.float32) * (1.0 / np.sqrt(HID))
    inp['fc2_b'] = jnp.zeros((HID,), jnp.float32)
    inp['ln_g'] = jnp.ones((HID,), jnp.float32)
    inp['ln_b'] = jnp.zeros((HID,), jnp.float32)
    inp['fc3_w'] = jax.random.normal(ks[5], (EMB, HID), dtype=jnp.float32) * (1.0 / np.sqrt(HID))
    inp['fc3_b'] = jnp.zeros((EMB,), jnp.float32)
    return inp


def reference(obs, cnn1_w, cnn1_b, bn1_g, bn1_b, cnn2_w, cnn2_b,
              fc1_w, fc1_b, fc2_w, fc2_b, ln_g, ln_b, fc3_w, fc3_b):
    # ContrastiveSWM.forward(obs) = obj_encoder(obj_extractor(obs))
    # EncoderCNNSmall: conv10x10 s10 -> BatchNorm (train mode, batch stats) -> relu -> conv1x1 -> sigmoid
    h = _conv(obs, cnn1_w, cnn1_b, 10)
    mean = jnp.mean(h, axis=(0, 2, 3), keepdims=True)
    var = jnp.var(h, axis=(0, 2, 3), keepdims=True)
    h = (h - mean) / jnp.sqrt(var + 1e-5)
    h = h * bn1_g[None, :, None, None] + bn1_b[None, :, None, None]
    h = jax.nn.relu(h)
    h = _conv(h, cnn2_w, cnn2_b, 1)
    h = jax.nn.sigmoid(h)  # [B, NUM_OBJ, 5, 5]
    # EncoderMLP: view(-1, num_objects, input_dim); fc1->relu; fc2->LN->relu; fc3
    x = h.reshape(-1, NUM_OBJ, MLP_IN)
    x = jax.nn.relu(x @ fc1_w.T + fc1_b)
    x = x @ fc2_w.T + fc2_b
    mu = jnp.mean(x, axis=-1, keepdims=True)
    v = jnp.var(x, axis=-1, keepdims=True)
    x = (x - mu) / jnp.sqrt(v + 1e-5) * ln_g + ln_b
    x = jax.nn.relu(x)
    x = x @ fc3_w.T + fc3_b
    return x  # [B, NUM_OBJ, EMB]

if __name__ == "__main__":
    import jax
    _d = setup_inputs()
    print(jax.jit(kernel)(*tuple(_d.values())))

</pallas_src>

<mosaic_0001>
module attributes {stable_mosaic.version = 14 : i64} {
  func.func @_c1_body(%arg0: i32, %arg1: memref<256x64x128xf32, #tpu.memory_space<vmem>>, %arg2: memref<3x500x160xf32, #tpu.memory_space<vmem>>, %arg3: memref<1x160xf32, #tpu.memory_space<vmem>>, %arg4: memref<256x800xf32, #tpu.memory_space<vmem>>, %arg5: memref<2x800xf32, #tpu.memory_space<vmem>>) attributes {dimension_semantics = [#tpu.dimension_semantics<arbitrary>], iteration_bounds = array<i64: 4>, scalar_prefetch = 0 : i64, scratch_operands = 0 : i64, tpu.core_type = #tpu.core_type<tc>, window_params = [{transform_indices = @transform_0, window_bounds = array<i64: 256, 64, 128>}, {pipeline_mode = #tpu.pipeline_mode<synchronous>, transform_indices = @transform_1, window_bounds = array<i64: 3, 500, 160>}, {pipeline_mode = #tpu.pipeline_mode<synchronous>, transform_indices = @transform_2, window_bounds = array<i64: 1, 160>}, {transform_indices = @transform_3, window_bounds = array<i64: 256, 800>}, {pipeline_mode = #tpu.pipeline_mode<synchronous>, transform_indices = @transform_4, window_bounds = array<i64: 2, 800>}]} {
    %get3A = arith.constant 0 : index
    %get3A_0 = arith.constant 0 : index
    %get3A_1 = arith.constant 0 : index
    %get3A_2 = vector.load %arg1[%get3A, %get3A_0, %get3A_1] : memref<256x64x128xf32, #tpu.memory_space<vmem>>, vector<256x64x128xf32>
    %reshape3A = vector.shape_cast %get3A_2 : vector<256x64x128xf32> to vector<256x8192xf32>
    %slice3A = vector.extract_strided_slice %reshape3A {offsets = [0, 0], sizes = [256, 500], strides = [1, 1]} : vector<256x8192xf32> to vector<256x500xf32>
    %get3A_3 = arith.constant 0 : index
    %get3A_4 = arith.constant 0 : index
    %get3A_5 = arith.constant 0 : index
    %get3A_6 = vector.load %arg2[%get3A_3, %get3A_4, %get3A_5] : memref<3x500x160xf32, #tpu.memory_space<vmem>>, vector<1x500x160xf32>
    %get3A_7 = vector.shape_cast %get3A_6 : vector<1x500x160xf32> to vector<500x160xf32>
    %dot_general3A = arith.constant dense<0.000000e+00> : vector<256x160xf32>
    %dot_general3A_8 = tpu.matmul %slice3A, %get3A_7, %dot_general3A {dimension_numbers = #tpu.dot_dimension_numbers<[1], [0], [0], [1], [0, 0, 1, 1], [], []>, transpose_lhs_hint = false} : vector<256x500xf32>, vector<500x160xf32>, vector<256x160xf32> -> vector<256x160xf32>
    %slice3A_9 = vector.extract_strided_slice %reshape3A {offsets = [0, 2500], sizes = [256, 500], strides = [1, 1]} : vector<256x8192xf32> to vector<256x500xf32>
    %get3A_10 = arith.constant 1 : index
    %get3A_11 = arith.constant 0 : index
    %get3A_12 = arith.constant 0 : index
    %get3A_13 = vector.load %arg2[%get3A_10, %get3A_11, %get3A_12] : memref<3x500x160xf32, #tpu.memory_space<vmem>>, vector<1x500x160xf32>
    %get3A_14 = vector.shape_cast %get3A_13 : vector<1x500x160xf32> to vector<500x160xf32>
    %dot_general3A_15 = arith.constant dense<0.000000e+00> : vector<256x160xf32>
    %dot_general3A_16 = tpu.matmul %slice3A_9, %get3A_14, %dot_general3A_15 {dimension_numbers = #tpu.dot_dimension_numbers<[1], [0], [0], [1], [0, 0, 1, 1], [], []>, transpose_lhs_hint = false} : vector<256x500xf32>, vector<500x160xf32>, vector<256x160xf32> -> vector<256x160xf32>
    %add3A = arith.addf %dot_general3A_8, %dot_general3A_16 : vector<256x160xf32>
    %slice3A_17 = vector.extract_strided_slice %reshape3A {offsets = [0, 5000], sizes = [256, 500], strides = [1, 1]} : vector<256x8192xf32> to vector<256x500xf32>
    %get3A_18 = arith.constant 2 : index
    %get3A_19 = arith.constant 0 : index
    %get3A_20 = arith.constant 0 : index
    %get3A_21 = vector.load %arg2[%get3A_18, %get3A_19, %get3A_20] : memref<3x500x160xf32, #tpu.memory_space<vmem>>, vector<1x500x160xf32>
    %get3A_22 = vector.shape_cast %get3A_21 : vector<1x500x160xf32> to vector<500x160xf32>
    %dot_general3A_23 = arith.constant dense<0.000000e+00> : vector<256x160xf32>
    %dot_general3A_24 = tpu.matmul %slice3A_17, %get3A_22, %dot_general3A_23 {dimension_numbers = #tpu.dot_dimension_numbers<[1], [0], [0], [1], [0, 0, 1, 1], [], []>, transpose_lhs_hint = false} : vector<256x500xf32>, vector<500x160xf32>, vector<256x160xf32> -> vector<256x160xf32>
    %add3A_25 = arith.addf %add3A, %dot_general3A_24 : vector<256x160xf32>
    %get3A_26 = arith.constant 0 : index
    %get3A_27 = arith.constant 0 : index
    %get3A_28 = vector.load %arg3[%get3A_26, %get3A_27] : memref<1x160xf32, #tpu.memory_space<vmem>>, vector<1x160xf32>
    %add3A_29 = vector.broadcast %get3A_28 : vector<1x160xf32> to vector<256x160xf32>
    %add3A_30 = arith.addf %add3A_25, %add3A_29 : vector<256x160xf32>
    %slice3A_31 = vector.extract_strided_slice %reshape3A {offsets = [0, 500], sizes = [256, 500], strides = [1, 1]} : vector<256x8192xf32> to vector<256x500xf32>
    %get3A_32 = arith.constant 0 : index
    %get3A_33 = arith.constant 0 : index
    %get3A_34 = arith.constant 0 : index
    %get3A_35 = vector.load %arg2[%get3A_32, %get3A_33, %get3A_34] : memref<3x500x160xf32, #tpu.memory_space<vmem>>, vector<1x500x160xf32>
    %get3A_36 = vector.shape_cast %get3A_35 : vector<1x500x160xf32> to vector<500x160xf32>
    %dot_general3A_37 = arith.constant dense<0.000000e+00> : vector<256x160xf32>
    %dot_general3A_38 = tpu.matmul %slice3A_31, %get3A_36, %dot_general3A_37 {dimension_numbers = #tpu.dot_dimension_numbers<[1], [0], [0], [1], [0, 0, 1, 1], [], []>, transpose_lhs_hint = false} : vector<256x500xf32>, vector<500x160xf32>, vector<256x160xf32> -> vector<256x160xf32>
    %slice3A_39 = vector.extract_strided_slice %reshape3A {offsets = [0, 3000], sizes = [256, 500], strides = [1, 1]} : vector<256x8192xf32> to vector<256x500xf32>
    %get3A_40 = arith.constant 1 : index
    %get3A_41 = arith.constant 0 : index
    %get3A_42 = arith.constant 0 : index
    %get3A_43 = vector.load %arg2[%get3A_40, %get3A_41, %get3A_42] : memref<3x500x160xf32, #tpu.memory_space<vmem>>, vector<1x500x160xf32>
    %get3A_44 = vector.shape_cast %get3A_43 : vector<1x500x160xf32> to vector<500x160xf32>
    %dot_general3A_45 = arith.constant dense<0.000000e+00> : vector<256x160xf32>
    %dot_general3A_46 = tpu.matmul %slice3A_39, %get3A_44, %dot_general3A_45 {dimension_numbers = #tpu.dot_dimension_numbers<[1], [0], [0], [1], [0, 0, 1, 1], [], []>, transpose_lhs_hint = false} : vector<256x500xf32>, vector<500x160xf32>, vector<256x160xf32> -> vector<256x160xf32>
    %add3A_47 = arith.addf %dot_general3A_38, %dot_general3A_46 : vector<256x160xf32>
    %slice3A_48 = vector.extract_strided_slice %reshape3A {offsets = [0, 5500], sizes = [256, 500], strides = [1, 1]} : vector<256x8192xf32> to vector<256x500xf32>
    %get3A_49 = arith.constant 2 : index
    %get3A_50 = arith.constant 0 : index
    %get3A_51 = arith.constant 0 : index
    %get3A_52 = vector.load %arg2[%get3A_49, %get3A_50, %get3A_51] : memref<3x500x160xf32, #tpu.memory_space<vmem>>, vector<1x500x160xf32>
    %get3A_53 = vector.shape_cast %get3A_52 : vector<1x500x160xf32> to vector<500x160xf32>
    %dot_general3A_54 = arith.constant dense<0.000000e+00> : vector<256x160xf32>
    %dot_general3A_55 = tpu.matmul %slice3A_48, %get3A_53, %dot_general3A_54 {dimension_numbers = #tpu.dot_dimension_numbers<[1], [0], [0], [1], [0, 0, 1, 1], [], []>, transpose_lhs_hint = false} : vector<256x500xf32>, vector<500x160xf32>, vector<256x160xf32> -> vector<256x160xf32>
    %add3A_56 = arith.addf %add3A_47, %dot_general3A_55 : vector<256x160xf32>
    %get3A_57 = arith.constant 0 : index
    %get3A_58 = arith.constant 0 : index
    %get3A_59 = vector.load %arg3[%get3A_57, %get3A_58] : memref<1x160xf32, #tpu.memory_space<vmem>>, vector<1x160xf32>
    %add3A_60 = vector.broadcast %get3A_59 : vector<1x160xf32> to vector<256x160xf32>
    %add3A_61 = arith.addf %add3A_56, %add3A_60 : vector<256x160xf32>
    %slice3A_62 = vector.extract_strided_slice %reshape3A {offsets = [0, 1000], sizes = [256, 500], strides = [1, 1]} : vector<256x8192xf32> to vector<256x500xf32>
    %get3A_63 = arith.constant 0 : index
    %get3A_64 = arith.constant 0 : index
    %get3A_65 = arith.constant 0 : index
    %get3A_66 = vector.load %arg2[%get3A_63, %get3A_64, %get3A_65] : memref<3x500x160xf32, #tpu.memory_space<vmem>>, vector<1x500x160xf32>
    %get3A_67 = vector.shape_cast %get3A_66 : vector<1x500x160xf32> to vector<500x160xf32>
    %dot_general3A_68 = arith.constant dense<0.000000e+00> : vector<256x160xf32>
    %dot_general3A_69 = tpu.matmul %slice3A_62, %get3A_67, %dot_general3A_68 {dimension_numbers = #tpu.dot_dimension_numbers<[1], [0], [0], [1], [0, 0, 1, 1], [], []>, transpose_lhs_hint = false} : vector<256x500xf32>, vector<500x160xf32>, vector<256x160xf32> -> vector<256x160xf32>
    %slice3A_70 = vector.extract_strided_slice %reshape3A {offsets = [0, 3500], sizes = [256, 500], strides = [1, 1]} : vector<256x8192xf32> to vector<256x500xf32>
    %get3A_71 = arith.constant 1 : index
    %get3A_72 = arith.constant 0 : index
    %get3A_73 = arith.constant 0 : index
    %get3A_74 = vector.load %arg2[%get3A_71, %get3A_72, %get3A_73] : memref<3x500x160xf32, #tpu.memory_space<vmem>>, vector<1x500x160xf32>
    %get3A_75 = vector.shape_cast %get3A_74 : vector<1x500x160xf32> to vector<500x160xf32>
    %dot_general3A_76 = arith.constant dense<0.000000e+00> : vector<256x160xf32>
    %dot_general3A_77 = tpu.matmul %slice3A_70, %get3A_75, %dot_general3A_76 {dimension_numbers = #tpu.dot_dimension_numbers<[1], [0], [0], [1], [0, 0, 1, 1], [], []>, transpose_lhs_hint = false} : vector<256x500xf32>, vector<500x160xf32>, vector<256x160xf32> -> vector<256x160xf32>
    %add3A_78 = arith.addf %dot_general3A_69, %dot_general3A_77 : vector<256x160xf32>
    %slice3A_79 = vector.extract_strided_slice %reshape3A {offsets = [0, 6000], sizes = [256, 500], strides = [1, 1]} : vector<256x8192xf32> to vector<256x500xf32>
    %get3A_80 = arith.constant 2 : index
    %get3A_81 = arith.constant 0 : index
    %get3A_82 = arith.constant 0 : index
    %get3A_83 = vector.load %arg2[%get3A_80, %get3A_81, %get3A_82] : memref<3x500x160xf32, #tpu.memory_space<vmem>>, vector<1x500x160xf32>
    %get3A_84 = vector.shape_cast %get3A_83 : vector<1x500x160xf32> to vector<500x160xf32>
    %dot_general3A_85 = arith.constant dense<0.000000e+00> : vector<256x160xf32>
    %dot_general3A_86 = tpu.matmul %slice3A_79, %get3A_84, %dot_general3A_85 {dimension_numbers = #tpu.dot_dimension_numbers<[1], [0], [0], [1], [0, 0, 1, 1], [], []>, transpose_lhs_hint = false} : vector<256x500xf32>, vector<500x160xf32>, vector<256x160xf32> -> vector<256x160xf32>
    %add3A_87 = arith.addf %add3A_78, %dot_general3A_86 : vector<256x160xf32>
    %get3A_88 = arith.constant 0 : index
    %get3A_89 = arith.constant 0 : index
    %get3A_90 = vector.load %arg3[%get3A_88, %get3A_89] : memref<1x160xf32, #tpu.memory_space<vmem>>, vector<1x160xf32>
    %add3A_91 = vector.broadcast %get3A_90 : vector<1x160xf32> to vector<256x160xf32>
    %add3A_92 = arith.addf %add3A_87, %add3A_91 : vector<256x160xf32>
    %slice3A_93 = vector.extract_strided_slice %reshape3A {offsets = [0, 1500], sizes = [256, 500], strides = [1, 1]} : vector<256x8192xf32> to vector<256x500xf32>
    %get3A_94 = arith.constant 0 : index
    %get3A_95 = arith.constant 0 : index
    %get3A_96 = arith.constant 0 : index
    %get3A_97 = vector.load %arg2[%get3A_94, %get3A_95, %get3A_96] : memref<3x500x160xf32, #tpu.memory_space<vmem>>, vector<1x500x160xf32>
    %get3A_98 = vector.shape_cast %get3A_97 : vector<1x500x160xf32> to vector<500x160xf32>
    %dot_general3A_99 = arith.constant dense<0.000000e+00> : vector<256x160xf32>
    %dot_general3A_100 = tpu.matmul %slice3A_93, %get3A_98, %dot_general3A_99 {dimension_numbers = #tpu.dot_dimension_numbers<[1], [0], [0], [1], [0, 0, 1, 1], [], []>, transpose_lhs_hint = false} : vector<256x500xf32>, vector<500x160xf32>, vector<256x160xf32> -> vector<256x160xf32>
    %slice3A_101 = vector.extract_strided_slice %reshape3A {offsets = [0, 4000], sizes = [256, 500], strides = [1, 1]} : vector<256x8192xf32> to vector<256x500xf32>
    %get3A_102 = arith.constant 1 : index
    %get3A_103 = arith.constant 0 : index
    %get3A_104 = arith.constant 0 : index
    %get3A_105 = vector.load %arg2[%get3A_102, %get3A_103, %get3A_104] : memref<3x500x160xf32, #tpu.memory_space<vmem>>, vector<1x500x160xf32>
    %get3A_106 = vector.shape_cast %get3A_105 : vector<1x500x160xf32> to vector<500x160xf32>
    %dot_general3A_107 = arith.constant dense<0.000000e+00> : vector<256x160xf32>
    %dot_general3A_108 = tpu.matmul %slice3A_101, %get3A_106, %dot_general3A_107 {dimension_numbers = #tpu.dot_dimension_numbers<[1], [0], [0], [1], [0, 0, 1, 1], [], []>, transpose_lhs_hint = false} : vector<256x500xf32>, vector<500x160xf32>, vector<256x160xf32> -> vector<256x160xf32>
    %add3A_109 = arith.addf %dot_general3A_100, %dot_general3A_108 : vector<256x160xf32>
    %slice3A_110 = vector.extract_strided_slice %reshape3A {offsets = [0, 6500], sizes = [256, 500], strides = [1, 1]} : vector<256x8192xf32> to vector<256x500xf32>
    %get3A_111 = arith.constant 2 : index
    %get3A_112 = arith.constant 0 : index
    %get3A_113 = arith.constant 0 : index
    %get3A_114 = vector.load %arg2[%get3A_111, %get3A_112, %get3A_113] : memref<3x500x160xf32, #tpu.memory_space<vmem>>, vector<1x500x160xf32>
    %get3A_115 = vector.shape_cast %get3A_114 : vector<1x500x160xf32> to vector<500x160xf32>
    %dot_general3A_116 = arith.constant dense<0.000000e+00> : vector<256x160xf32>
    %dot_general3A_117 = tpu.matmul %slice3A_110, %get3A_115, %dot_general3A_116 {dimension_numbers = #tpu.dot_dimension_numbers<[1], [0], [0], [1], [0, 0, 1, 1], [], []>, transpose_lhs_hint = false} : vector<256x500xf32>, vector<500x160xf32>, vector<256x160xf32> -> vector<256x160xf32>
    %add3A_118 = arith.addf %add3A_109, %dot_general3A_117 : vector<256x160xf32>
    %get3A_119 = arith.constant 0 : index
    %get3A_120 = arith.constant 0 : index
    %get3A_121 = vector.load %arg3[%get3A_119, %get3A_120] : memref<1x160xf32, #tpu.memory_space<vmem>>, vector<1x160xf32>
    %add3A_122 = vector.broadcast %get3A_121 : vector<1x160xf32> to vector<256x160xf32>
    %add3A_123 = arith.addf %add3A_118, %add3A_122 : vector<256x160xf32>
    %slice3A_124 = vector.extract_strided_slice %reshape3A {offsets = [0, 2000], sizes = [256, 500], strides = [1, 1]} : vector<256x8192xf32> to vector<256x500xf32>
    %get3A_125 = arith.constant 0 : index
    %get3A_126 = arith.constant 0 : index
    %get3A_127 = arith.constant 0 : index
    %get3A_128 = vector.load %arg2[%get3A_125, %get3A_126, %get3A_127] : memref<3x500x160xf32, #tpu.memory_space<vmem>>, vector<1x500x160xf32>
    %get3A_129 = vector.shape_cast %get3A_128 : vector<1x500x160xf32> to vector<500x160xf32>
    %dot_general3A_130 = arith.constant dense<0.000000e+00> : vector<256x160xf32>
    %dot_general3A_131 = tpu.matmul %slice3A_124, %get3A_129, %dot_general3A_130 {dimension_numbers = #tpu.dot_dimension_numbers<[1], [0], [0], [1], [0, 0, 1, 1], [], []>, transpose_lhs_hint = false} : vector<256x500xf32>, vector<500x160xf32>, vector<256x160xf32> -> vector<256x160xf32>
    %slice3A_132 = vector.extract_strided_slice %reshape3A {offsets = [0, 4500], sizes = [256, 500], strides = [1, 1]} : vector<256x8192xf32> to vector<256x500xf32>
    %get3A_133 = arith.constant 1 : index
    %get3A_134 = arith.constant 0 : index
    %get3A_135 = arith.constant 0 : index
    %get3A_136 = vector.load %arg2[%get3A_133, %get3A_134, %get3A_135] : memref<3x500x160xf32, #tpu.memory_space<vmem>>, vector<1x500x160xf32>
    %get3A_137 = vector.shape_cast %get3A_136 : vector<1x500x160xf32> to vector<500x160xf32>
    %dot_general3A_138 = arith.constant dense<0.000000e+00> : vector<256x160xf32>
    %dot_general3A_139 = tpu.matmul %slice3A_132, %get3A_137, %dot_general3A_138 {dimension_numbers = #tpu.dot_dimension_numbers<[1], [0], [0], [1], [0, 0, 1, 1], [], []>, transpose_lhs_hint = false} : vector<256x500xf32>, vector<500x160xf32>, vector<256x160xf32> -> vector<256x160xf32>
    %add3A_140 = arith.addf %dot_general3A_131, %dot_general3A_139 : vector<256x160xf32>
    %slice3A_141 = vector.extract_strided_slice %reshape3A {offsets = [0, 7000], sizes = [256, 500], strides = [1, 1]} : vector<256x8192xf32> to vector<256x500xf32>
    %get3A_142 = arith.constant 2 : index
    %get3A_143 = arith.constant 0 : index
    %get3A_144 = arith.constant 0 : index
    %get3A_145 = vector.load %arg2[%get3A_142, %get3A_143, %get3A_144] : memref<3x500x160xf32, #tpu.memory_space<vmem>>, vector<1x500x160xf32>
    %get3A_146 = vector.shape_cast %get3A_145 : vector<1x500x160xf32> to vector<500x160xf32>
    %dot_general3A_147 = arith.constant dense<0.000000e+00> : vector<256x160xf32>
    %dot_general3A_148 = tpu.matmul %slice3A_141, %get3A_146, %dot_general3A_147 {dimension_numbers = #tpu.dot_dimension_numbers<[1], [0], [0], [1], [0, 0, 1, 1], [], []>, transpose_lhs_hint = false} : vector<256x500xf32>, vector<500x160xf32>, vector<256x160xf32> -> vector<256x160xf32>
    %add3A_149 = arith.addf %add3A_140, %dot_general3A_148 : vector<256x160xf32>
    %get3A_150 = arith.constant 0 : index
    %get3A_151 = arith.constant 0 : index
    %get3A_152 = vector.load %arg3[%get3A_150, %get3A_151] : memref<1x160xf32, #tpu.memory_space<vmem>>, vector<1x160xf32>
    %add3A_153 = vector.broadcast %get3A_152 : vector<1x160xf32> to vector<256x160xf32>
    %add3A_154 = arith.addf %add3A_149, %add3A_153 : vector<256x160xf32>
    %concatenate3A = tpu.concatenate %add3A_30, %add3A_61, %add3A_92, %add3A_123, %add3A_154 in 1 : vector<256x160xf32>, vector<256x160xf32>, vector<256x160xf32>, vector<256x160xf32>, vector<256x160xf32> -> vector<256x800xf32>
    %swap3A = arith.constant 0 : index
    %swap3A_155 = arith.constant 0 : index
    %swap3A_156 = vector.load %arg4[%swap3A, %swap3A_155] : memref<256x800xf32, #tpu.memory_space<vmem>>, vector<256x800xf32>
    tpu.vector_store %arg4[%swap3A, %swap3A_155], %concatenate3A {strides = array<i32>} : memref<256x800xf32, #tpu.memory_space<vmem>>, vector<256x800xf32>,
    %reduce_sum3A = arith.constant dense<0.000000e+00> : vector<800xf32>
    %reduce_sum3A_157 = vector.multi_reduction <add>, %concatenate3A, %reduce_sum3A [0] : vector<256x800xf32> to vector<800xf32>
    %broadcast_in_dim3A = vector.shape_cast %reduce_sum3A_157 : vector<800xf32> to vector<1x800xf32>
    %mul3A = arith.mulf %concatenate3A, %concatenate3A : vector<256x800xf32>
    %reduce_sum3A_158 = arith.constant dense<0.000000e+00> : vector<800xf32>
    %reduce_sum3A_159 = vector.multi_reduction <add>, %mul3A, %reduce_sum3A_158 [0] : vector<256x800xf32> to vector<800xf32>
    %broadcast_in_dim3A_160 = vector.shape_cast %reduce_sum3A_159 : vector<800xf32> to vector<1x800xf32>
    %concatenate3A_161 = tpu.concatenate %broadcast_in_dim3A, %broadcast_in_dim3A_160 in 0 : vector<1x800xf32>, vector<1x800xf32> -> vector<2x800xf32>
    %eq3A = arith.constant 0 : i32
    %eq3A_162 = arith.cmpi eq, %arg0, %eq3A : i32
    %convert_element_type3A = arith.extui %eq3A_162 : i1 to i32
    %cond3A = arith.constant 0 : i32
    %cond3A_163 = arith.cmpi ne, %convert_element_type3A, %cond3A : i32
    scf.if %cond3A_163 {
      %swap3A_168 = arith.constant 0 : index
      %swap3A_169 = arith.constant 0 : index
      %swap3A_170 = vector.load %arg5[%swap3A_168, %swap3A_169] : memref<2x800xf32, #tpu.memory_space<vmem>>, vector<2x800xf32>
      tpu.vector_store %arg5[%swap3A_168, %swap3A_169], %concatenate3A_161 {strides = array<i32>} : memref<2x800xf32, #tpu.memory_space<vmem>>, vector<2x800xf32>,
    } else {
    }
    %gt3A = arith.constant 0 : i32
    %gt3A_164 = arith.cmpi sgt, %arg0, %gt3A : i32
    %convert_element_type3A_165 = arith.extui %gt3A_164 : i1 to i32
    %cond3A_166 = arith.constant 0 : i32
    %cond3A_167 = arith.cmpi ne, %convert_element_type3A_165, %cond3A_166 : i32
    scf.if %cond3A_167 {
      %get3A_168 = arith.constant 0 : index
      %get3A_169 = arith.constant 0 : index
      %get3A_170 = vector.load %arg5[%get3A_168, %get3A_169] : memref<2x800xf32, #tpu.memory_space<vmem>>, vector<2x800xf32>
      %add3A_171 = arith.addf %get3A_170, %concatenate3A_161 : vector<2x800xf32>
      %swap3A_172 = arith.constant 0 : index
      %swap3A_173 = arith.constant 0 : index
      %swap3A_174 = vector.load %arg5[%swap3A_172, %swap3A_173] : memref<2x800xf32, #tpu.memory_space<vmem>>, vector<2x800xf32>
      tpu.vector_store %arg5[%swap3A_172, %swap3A_173], %add3A_171 {strides = array<i32>} : memref<2x800xf32, #tpu.memory_space<vmem>>, vector<2x800xf32>,
    } else {
    }
    return
  }
  func.func @transform_0(%arg0: i32) -> (i32, i32, i32) {
    %c0_i32 = arith.constant 0 : i32
    %c0_i32_0 = arith.constant 0 : i32
    %c0_i32_1 = arith.constant 0 : i32
    return %arg0, %c0_i32, %c0_i32_0 : i32, i32, i32
  }
  func.func @transform_1(%arg0: i32) -> (i32, i32, i32) {
    %c0_i32 = arith.constant 0 : i32
    %c0_i32_0 = arith.constant 0 : i32
    %c0_i32_1 = arith.constant 0 : i32
    %c0_i32_2 = arith.constant 0 : i32
    return %c0_i32, %c0_i32_0, %c0_i32_1 : i32, i32, i32
  }
  func.func @transform_2(%arg0: i32) -> (i32, i32) {
    %c0_i32 = arith.constant 0 : i32
    %c0_i32_0 = arith.constant 0 : i32
    %c0_i32_1 = arith.constant 0 : i32
    return %c0_i32, %c0_i32_0 : i32, i32
  }
  func.func @transform_3(%arg0: i32) -> (i32, i32) {
    %c0_i32 = arith.constant 0 : i32
    %c0_i32_0 = arith.constant 0 : i32
    return %arg0, %c0_i32 : i32, i32
  }
  func.func @transform_4(%arg0: i32) -> (i32, i32) {
    %c0_i32 = arith.constant 0 : i32
    %c0_i32_0 = arith.constant 0 : i32
    %c0_i32_1 = arith.constant 0 : i32
    return %c0_i32, %c0_i32_0 : i32, i32
  }
}

module attributes {stable_mosaic.version = 14 : i64} {
  func.func @_c2_body(%arg0: i32, %arg1: memref<256x800xf32, #tpu.memory_space<vmem>>, %arg2: memref<2x800xf32, #tpu.memory_space<vmem>>, %arg3: memref<800x32xf32, #tpu.memory_space<vmem>>, %arg4: memref<32x800xf32, #tpu.memory_space<vmem>>, %arg5: memref<1x32xf32, #tpu.memory_space<vmem>>, %arg6: memref<1x32xf32, #tpu.memory_space<vmem>>, %arg7: memref<800x125xf32, #tpu.memory_space<vmem>>, %arg8: memref<1x125xf32, #tpu.memory_space<vmem>>, %arg9: memref<25x512xf32, #tpu.memory_space<vmem>>, %arg10: memref<1x512xf32, #tpu.memory_space<vmem>>, %arg11: memref<512x512xf32, #tpu.memory_space<vmem>>, %arg12: memref<1x512xf32, #tpu.memory_space<vmem>>, %arg13: memref<1x512xf32, #tpu.memory_space<vmem>>, %arg14: memref<1x512xf32, #tpu.memory_space<vmem>>, %arg15: memref<512x32xf32, #tpu.memory_space<vmem>>, %arg16: memref<1x32xf32, #tpu.memory_space<vmem>>, %arg17: memref<5x256x32xf32, #tpu.memory_space<vmem>>) attributes {dimension_semantics = [#tpu.dimension_semantics<arbitrary>], iteration_bounds = array<i64: 4>, scalar_prefetch = 0 : i64, scratch_operands = 0 : i64, tpu.core_type = #tpu.core_type<tc>, window_params = [{transform_indices = @transform_0, window_bounds = array<i64: 256, 800>}, {pipeline_mode = #tpu.pipeline_mode<synchronous>, transform_indices = @transform_1, window_bounds = array<i64: 2, 800>}, {pipeline_mode = #tpu.pipeline_mode<synchronous>, transform_indices = @transform_2, window_bounds = array<i64: 800, 32>}, {pipeline_mode = #tpu.pipeline_mode<synchronous>, transform_indices = @transform_3, window_bounds = array<i64: 32, 800>}, {pipeline_mode = #tpu.pipeline_mode<synchronous>, transform_indices = @transform_4, window_bounds = array<i64: 1, 32>}, {pipeline_mode = #tpu.pipeline_mode<synchronous>, transform_indices = @transform_5, window_bounds = array<i64: 1, 32>}, {pipeline_mode = #tpu.pipeline_mode<synchronous>, transform_indices = @transform_6, window_bounds = array<i64: 800, 125>}, {pipeline_mode = #tpu.pipeline_mode<synchronous>, transform_indices = @transform_7, window_bounds = array<i64: 1, 125>}, {pipeline_mode = #tpu.pipeline_mode<synchronous>, transform_indices = @transform_8, window_bounds = array<i64: 25, 512>}, {pipeline_mode = #tpu.pipeline_mode<synchronous>, transform_indices = @transform_9, window_bounds = array<i64: 1, 512>}, {pipeline_mode = #tpu.pipeline_mode<synchronous>, transform_indices = @transform_10, window_bounds = array<i64: 512, 512>}, {pipeline_mode = #tpu.pipeline_mode<synchronous>, transform_indices = @transform_11, window_bounds = array<i64: 1, 512>}, {pipeline_mode = #tpu.pipeline_mode<synchronous>, transform_indices = @transform_12, window_bounds = array<i64: 1, 512>}, {pipeline_mode = #tpu.pipeline_mode<synchronous>, transform_indices = @transform_13, window_bounds = array<i64: 1, 512>}, {pipeline_mode = #tpu.pipeline_mode<synchronous>, transform_indices = @transform_14, window_bounds = array<i64: 512, 32>}, {pipeline_mode = #tpu.pipeline_mode<synchronous>, transform_indices = @transform_15, window_bounds = array<i64: 1, 32>}, {transform_indices = @transform_16, window_bounds = array<i64: 5, 256, 32>}]} {
    %get3A = arith.constant 0 : index
    %get3A_0 = arith.constant 0 : index
    %get3A_1 = vector.load %arg2[%get3A, %get3A_0] : memref<2x800xf32, #tpu.memory_space<vmem>>, vector<2x800xf32>
    %get3A_2 = arith.constant 0 : index
    %get3A_3 = arith.constant 0 : index
    %get3A_4 = vector.load %arg3[%get3A_2, %get3A_3] : memref<800x32xf32, #tpu.memory_space<vmem>>, vector<800x32xf32>
    %dot_general3A = arith.constant dense<0.000000e+00> : vector<2x32xf32>
    %dot_general3A_5 = tpu.matmul %get3A_1, %get3A_4, %dot_general3A {dimension_numbers = #tpu.dot_dimension_numbers<[1], [0], [0], [1], [0, 0, 1, 1], [], []>, transpose_lhs_hint = false} : vector<2x800xf32>, vector<800x32xf32>, vector<2x32xf32> -> vector<2x32xf32>
    %slice3A = vector.extract_strided_slice %dot_general3A_5 {offsets = [0, 0], sizes = [1, 32], strides = [1, 1]} : vector<2x32xf32> to vector<1x32xf32>
    %div3A = arith.constant 2.560000e+04 : f32
    %div3A_6 = vector.broadcast %div3A : f32 to vector<1x32xf32>
    %div3A_7 = arith.divf %slice3A, %div3A_6 : vector<1x32xf32>
    %slice3A_8 = vector.extract_strided_slice %dot_general3A_5 {offsets = [1, 0], sizes = [1, 32], strides = [1, 1]} : vector<2x32xf32> to vector<1x32xf32>
    %div3A_9 = arith.constant 2.560000e+04 : f32
    %div3A_10 = vector.broadcast %div3A_9 : f32 to vector<1x32xf32>
    %div3A_11 = arith.divf %slice3A_8, %div3A_10 : vector<1x32xf32>
    %mul3A = arith.mulf %div3A_7, %div3A_7 : vector<1x32xf32>
    %sub3A = arith.subf %div3A_11, %mul3A : vector<1x32xf32>
    %get3A_12 = arith.constant 0 : index
    %get3A_13 = arith.constant 0 : index
    %get3A_14 = vector.load %arg5[%get3A_12, %get3A_13] : memref<1x32xf32, #tpu.memory_space<vmem>>, vector<1x32xf32>
    %add3A = arith.constant 9.99999974E-6 : f32
    %add3A_15 = vector.broadcast %add3A : f32 to vector<1x32xf32>
    %add3A_16 = arith.addf %sub3A, %add3A_15 : vector<1x32xf32>
    %rsqrt3A = math.rsqrt %add3A_16 : vector<1x32xf32>
    %mul3A_17 = arith.mulf %get3A_14, %rsqrt3A : vector<1x32xf32>
    %get3A_18 = arith.constant 0 : index
    %get3A_19 = arith.constant 0 : index
    %get3A_20 = vector.load %arg6[%get3A_18, %get3A_19] : memref<1x32xf32, #tpu.memory_space<vmem>>, vector<1x32xf32>
    %mul3A_21 = arith.mulf %div3A_7, %mul3A_17 : vector<1x32xf32>
    %sub3A_22 = arith.subf %get3A_20, %mul3A_21 : vector<1x32xf32>
    %get3A_23 = arith.constant 0 : index
    %get3A_24 = arith.constant 0 : index
    %get3A_25 = vector.load %arg4[%get3A_23, %get3A_24] : memref<32x800xf32, #tpu.memory_space<vmem>>, vector<32x800xf32>
    %dot_general3A_26 = arith.constant dense<0.000000e+00> : vector<1x800xf32>
    %dot_general3A_27 = tpu.matmul %mul3A_17, %get3A_25, %dot_general3A_26 {dimension_numbers = #tpu.dot_dimension_numbers<[1], [0], [0], [1], [0, 0, 1, 1], [], []>, transpose_lhs_hint = false} : vector<1x32xf32>, vector<32x800xf32>, vector<1x800xf32> -> vector<1x800xf32>
    %get3A_28 = arith.constant 0 : index
    %get3A_29 = arith.constant 0 : index
    %get3A_30 = vector.load %arg4[%get3A_28, %get3A_29] : memref<32x800xf32, #tpu.memory_space<vmem>>, vector<32x800xf32>
    %dot_general3A_31 = arith.constant dense<0.000000e+00> : vector<1x800xf32>
    %dot_general3A_32 = tpu.matmul %sub3A_22, %get3A_30, %dot_general3A_31 {dimension_numbers = #tpu.dot_dimension_numbers<[1], [0], [0], [1], [0, 0, 1, 1], [], []>, transpose_lhs_hint = false} : vector<1x32xf32>, vector<32x800xf32>, vector<1x800xf32> -> vector<1x800xf32>
    %get3A_33 = arith.constant 0 : index
    %get3A_34 = arith.constant 0 : index
    %get3A_35 = vector.load %arg1[%get3A_33, %get3A_34] : memref<256x800xf32, #tpu.memory_space<vmem>>, vector<256x800xf32>
    %mul3A_36 = vector.broadcast %dot_general3A_27 : vector<1x800xf32> to vector<256x800xf32>
    %mul3A_37 = arith.mulf %get3A_35, %mul3A_36 : vector<256x800xf32>
    %add3A_38 = vector.broadcast %dot_general3A_32 : vector<1x800xf32> to vector<256x800xf32>
    %add3A_39 = arith.addf %mul3A_37, %add3A_38 : vector<256x800xf32>
    %max3A = arith.constant 0.000000e+00 : f32
    %max3A_40 = vector.broadcast %max3A : f32 to vector<256x800xf32>
    %max3A_41 = arith.maximumf %add3A_39, %max3A_40 : vector<256x800xf32>
    %get3A_42 = arith.constant 0 : index
    %get3A_43 = arith.constant 0 : index
    %get3A_44 = vector.load %arg7[%get3A_42, %get3A_43] : memref<800x125xf32, #tpu.memory_space<vmem>>, vector<800x125xf32>
    %dot_general3A_45 = arith.constant dense<0.000000e+00> : vector<256x125xf32>
    %dot_general3A_46 = tpu.matmul %max3A_41, %get3A_44, %dot_general3A_45 {dimension_numbers = #tpu.dot_dimension_numbers<[1], [0], [0], [1], [0, 0, 1, 1], [], []>, transpose_lhs_hint = false} : vector<256x800xf32>, vector<800x125xf32>, vector<256x125xf32> -> vector<256x125xf32>
    %get3A_47 = arith.constant 0 : index
    %get3A_48 = arith.constant 0 : index
    %get3A_49 = vector.load %arg8[%get3A_47, %get3A_48] : memref<1x125xf32, #tpu.memory_space<vmem>>, vector<1x125xf32>
    %add3A_50 = vector.broadcast %get3A_49 : vector<1x125xf32> to vector<256x125xf32>
    %add3A_51 = arith.addf %dot_general3A_46, %add3A_50 : vector<256x125xf32>
    %logistic3A = arith.negf %add3A_51 : vector<256x125xf32>
    %logistic3A_52 = math.exp %logistic3A : vector<256x125xf32>
    %logistic3A_53 = arith.constant 1.000000e+00 : f32
    %logistic3A_54 = vector.broadcast %logistic3A_53 : f32 to vector<256x125xf32>
    %logistic3A_55 = arith.addf %logistic3A_54, %logistic3A_52 : vector<256x125xf32>
    %logistic3A_56 = arith.divf %logistic3A_54, %logistic3A_55 : vector<256x125xf32>
    %slice3A_57 = vector.extract_strided_slice %logistic3A_56 {offsets = [0, 0], sizes = [256, 25], strides = [1, 1]} : vector<256x125xf32> to vector<256x25xf32>
    %get3A_58 = arith.constant 0 : index
    %get3A_59 = arith.constant 0 : index
    %get3A_60 = vector.load %arg9[%get3A_58, %get3A_59] : memref<25x512xf32, #tpu.memory_space<vmem>>, vector<25x512xf32>
    %dot_general3A_61 = arith.constant dense<0.000000e+00> : vector<256x512xf32>
    %dot_general3A_62 = tpu.matmul %slice3A_57, %get3A_60, %dot_general3A_61 {dimension_numbers = #tpu.dot_dimension_numbers<[1], [0], [0], [1], [0, 0, 1, 1], [], []>, transpose_lhs_hint = false} : vector<256x25xf32>, vector<25x512xf32>, vector<256x512xf32> -> vector<256x512xf32>
    %get3A_63 = arith.constant 0 : index
    %get3A_64 = arith.constant 0 : index
    %get3A_65 = vector.load %arg10[%get3A_63, %get3A_64] : memref<1x512xf32, #tpu.memory_space<vmem>>, vector<1x512xf32>
    %add3A_66 = vector.broadcast %get3A_65 : vector<1x512xf32> to vector<256x512xf32>
    %add3A_67 = arith.addf %dot_general3A_62, %add3A_66 : vector<256x512xf32>
    %max3A_68 = arith.constant 0.000000e+00 : f32
    %max3A_69 = vector.broadcast %max3A_68 : f32 to vector<256x512xf32>
    %max3A_70 = arith.maximumf %add3A_67, %max3A_69 : vector<256x512xf32>
    %get3A_71 = arith.constant 0 : index
    %get3A_72 = arith.constant 0 : index
    %get3A_73 = vector.load %arg11[%get3A_71, %get3A_72] : memref<512x512xf32, #tpu.memory_space<vmem>>, vector<512x512xf32>
    %dot_general3A_74 = arith.constant dense<0.000000e+00> : vector<256x512xf32>
    %dot_general3A_75 = tpu.matmul %max3A_70, %get3A_73, %dot_general3A_74 {dimension_numbers = #tpu.dot_dimension_numbers<[1], [0], [0], [1], [0, 0, 1, 1], [], []>, transpose_lhs_hint = false} : vector<256x512xf32>, vector<512x512xf32>, vector<256x512xf32> -> vector<256x512xf32>
    %get3A_76 = arith.constant 0 : index
    %get3A_77 = arith.constant 0 : index
    %get3A_78 = vector.load %arg12[%get3A_76, %get3A_77] : memref<1x512xf32, #tpu.memory_space<vmem>>, vector<1x512xf32>
    %add3A_79 = vector.broadcast %get3A_78 : vector<1x512xf32> to vector<256x512xf32>
    %add3A_80 = arith.addf %dot_general3A_75, %add3A_79 : vector<256x512xf32>
    %reduce_sum3A = arith.constant dense<0.000000e+00> : vector<256xf32>
    %reduce_sum3A_81 = vector.multi_reduction <add>, %add3A_80, %reduce_sum3A [1] : vector<256x512xf32> to vector<256xf32>
    %broadcast_in_dim3A = vector.shape_cast %reduce_sum3A_81 : vector<256xf32> to vector<256x1xf32>
    %div3A_82 = arith.constant 5.120000e+02 : f32
    %div3A_83 = vector.broadcast %div3A_82 : f32 to vector<256x1xf32>
    %div3A_84 = arith.divf %broadcast_in_dim3A, %div3A_83 : vector<256x1xf32>
    %sub3A_85 = vector.broadcast %div3A_84 : vector<256x1xf32> to vector<256x512xf32>
    %sub3A_86 = arith.subf %add3A_80, %sub3A_85 : vector<256x512xf32>
    %mul3A_87 = arith.mulf %sub3A_86, %sub3A_86 : vector<256x512xf32>
    %reduce_sum3A_88 = arith.constant dense<0.000000e+00> : vector<256xf32>
    %reduce_sum3A_89 = vector.multi_reduction <add>, %mul3A_87, %reduce_sum3A_88 [1] : vector<256x512xf32> to vector<256xf32>
    %broadcast_in_dim3A_90 = vector.shape_cast %reduce_sum3A_89 : vector<256xf32> to vector<256x1xf32>
    %div3A_91 = arith.constant 5.120000e+02 : f32
    %div3A_92 = vector.broadcast %div3A_91 : f32 to vector<256x1xf32>
    %div3A_93 = arith.divf %broadcast_in_dim3A_90, %div3A_92 : vector<256x1xf32>
    %add3A_94 = arith.constant 9.99999974E-6 : f32
    %add3A_95 = vector.broadcast %add3A_94 : f32 to vector<256x1xf32>
    %add3A_96 = arith.addf %div3A_93, %add3A_95 : vector<256x1xf32>
    %rsqrt3A_97 = math.rsqrt %add3A_96 : vector<256x1xf32>
    %mul3A_98 = vector.broadcast %rsqrt3A_97 : vector<256x1xf32> to vector<256x512xf32>
    %mul3A_99 = arith.mulf %sub3A_86, %mul3A_98 : vector<256x512xf32>
    %get3A_100 = arith.constant 0 : index
    %get3A_101 = arith.constant 0 : index
    %get3A_102 = vector.load %arg13[%get3A_100, %get3A_101] : memref<1x512xf32, #tpu.memory_space<vmem>>, vector<1x512xf32>
    %mul3A_103 = vector.broadcast %get3A_102 : vector<1x512xf32> to vector<256x512xf32>
    %mul3A_104 = arith.mulf %mul3A_99, %mul3A_103 : vector<256x512xf32>
    %get3A_105 = arith.constant 0 : index
    %get3A_106 = arith.constant 0 : index
    %get3A_107 = vector.load %arg14[%get3A_105, %get3A_106] : memref<1x512xf32, #tpu.memory_space<vmem>>, vector<1x512xf32>
    %add3A_108 = vector.broadcast %get3A_107 : vector<1x512xf32> to vector<256x512xf32>
    %add3A_109 = arith.addf %mul3A_104, %add3A_108 : vector<256x512xf32>
    %max3A_110 = arith.constant 0.000000e+00 : f32
    %max3A_111 = vector.broadcast %max3A_110 : f32 to vector<256x512xf32>
    %max3A_112 = arith.maximumf %add3A_109, %max3A_111 : vector<256x512xf32>
    %get3A_113 = arith.constant 0 : index
    %get3A_114 = arith.constant 0 : index
    %get3A_115 = vector.load %arg15[%get3A_113, %get3A_114] : memref<512x32xf32, #tpu.memory_space<vmem>>, vector<512x32xf32>
    %dot_general3A_116 = arith.constant dense<0.000000e+00> : vector<256x32xf32>
    %dot_general3A_117 = tpu.matmul %max3A_112, %get3A_115, %dot_general3A_116 {dimension_numbers = #tpu.dot_dimension_numbers<[1], [0], [0], [1], [0, 0, 1, 1], [], []>, transpose_lhs_hint = false} : vector<256x512xf32>, vector<512x32xf32>, vector<256x32xf32> -> vector<256x32xf32>
    %get3A_118 = arith.constant 0 : index
    %get3A_119 = arith.constant 0 : index
    %get3A_120 = vector.load %arg16[%get3A_118, %get3A_119] : memref<1x32xf32, #tpu.memory_space<vmem>>, vector<1x32xf32>
    %add3A_121 = vector.broadcast %get3A_120 : vector<1x32xf32> to vector<256x32xf32>
    %add3A_122 = arith.addf %dot_general3A_117, %add3A_121 : vector<256x32xf32>
    %swap3A = arith.constant 0 : index
    %swap3A_123 = arith.constant 0 : index
    %swap3A_124 = arith.constant 0 : index
    %swap3A_125 = vector.load %arg17[%swap3A, %swap3A_123, %swap3A_124] : memref<5x256x32xf32, #tpu.memory_space<vmem>>, vector<1x256x32xf32>
    %swap3A_126 = vector.shape_cast %swap3A_125 : vector<1x256x32xf32> to vector<256x32xf32>
    %swap3A_127 = vector.shape_cast %add3A_122 : vector<256x32xf32> to vector<1x256x32xf32>
    tpu.vector_store %arg17[%swap3A, %swap3A_123, %swap3A_124], %swap3A_127 {strides = array<i32>} : memref<5x256x32xf32, #tpu.memory_space<vmem>>, vector<1x256x32xf32>,
    %slice3A_128 = vector.extract_strided_slice %logistic3A_56 {offsets = [0, 25], sizes = [256, 25], strides = [1, 1]} : vector<256x125xf32> to vector<256x25xf32>
    %get3A_129 = arith.constant 0 : index
    %get3A_130 = arith.constant 0 : index
    %get3A_131 = vector.load %arg9[%get3A_129, %get3A_130] : memref<25x512xf32, #tpu.memory_space<vmem>>, vector<25x512xf32>
    %dot_general3A_132 = arith.constant dense<0.000000e+00> : vector<256x512xf32>
    %dot_general3A_133 = tpu.matmul %slice3A_128, %get3A_131, %dot_general3A_132 {dimension_numbers = #tpu.dot_dimension_numbers<[1], [0], [0], [1], [0, 0, 1, 1], [], []>, transpose_lhs_hint = false} : vector<256x25xf32>, vector<25x512xf32>, vector<256x512xf32> -> vector<256x512xf32>
    %get3A_134 = arith.constant 0 : index
    %get3A_135 = arith.constant 0 : index
    %get3A_136 = vector.load %arg10[%get3A_134, %get3A_135] : memref<1x512xf32, #tpu.memory_space<vmem>>, vector<1x512xf32>
    %add3A_137 = vector.broadcast %get3A_136 : vector<1x512xf32> to vector<256x512xf32>
    %add3A_138 = arith.addf %dot_general3A_133, %add3A_137 : vector<256x512xf32>
    %max3A_139 = arith.constant 0.000000e+00 : f32
    %max3A_140 = vector.broadcast %max3A_139 : f32 to vector<256x512xf32>
    %max3A_141 = arith.maximumf %add3A_138, %max3A_140 : vector<256x512xf32>
    %get3A_142 = arith.constant 0 : index
    %get3A_143 = arith.constant 0 : index
    %get3A_144 = vector.load %arg11[%get3A_142, %get3A_143] : memref<512x512xf32, #tpu.memory_space<vmem>>, vector<512x512xf32>
    %dot_general3A_145 = arith.constant dense<0.000000e+00> : vector<256x512xf32>
    %dot_general3A_146 = tpu.matmul %max3A_141, %get3A_144, %dot_general3A_145 {dimension_numbers = #tpu.dot_dimension_numbers<[1], [0], [0], [1], [0, 0, 1, 1], [], []>, transpose_lhs_hint = false} : vector<256x512xf32>, vector<512x512xf32>, vector<256x512xf32> -> vector<256x512xf32>
    %get3A_147 = arith.constant 0 : index
    %get3A_148 = arith.constant 0 : index
    %get3A_149 = vector.load %arg12[%get3A_147, %get3A_148] : memref<1x512xf32, #tpu.memory_space<vmem>>, vector<1x512xf32>
    %add3A_150 = vector.broadcast %get3A_149 : vector<1x512xf32> to vector<256x512xf32>
    %add3A_151 = arith.addf %dot_general3A_146, %add3A_150 : vector<256x512xf32>
    %reduce_sum3A_152 = arith.constant dense<0.000000e+00> : vector<256xf32>
    %reduce_sum3A_153 = vector.multi_reduction <add>, %add3A_151, %reduce_sum3A_152 [1] : vector<256x512xf32> to vector<256xf32>
    %broadcast_in_dim3A_154 = vector.shape_cast %reduce_sum3A_153 : vector<256xf32> to vector<256x1xf32>
    %div3A_155 = arith.constant 5.120000e+02 : f32
    %div3A_156 = vector.broadcast %div3A_155 : f32 to vector<256x1xf32>
    %div3A_157 = arith.divf %broadcast_in_dim3A_154, %div3A_156 : vector<256x1xf32>
    %sub3A_158 = vector.broadcast %div3A_157 : vector<256x1xf32> to vector<256x512xf32>
    %sub3A_159 = arith.subf %add3A_151, %sub3A_158 : vector<256x512xf32>
    %mul3A_160 = arith.mulf %sub3A_159, %sub3A_159 : vector<256x512xf32>
    %reduce_sum3A_161 = arith.constant dense<0.000000e+00> : vector<256xf32>
    %reduce_sum3A_162 = vector.multi_reduction <add>, %mul3A_160, %reduce_sum3A_161 [1] : vector<256x512xf32> to vector<256xf32>
    %broadcast_in_dim3A_163 = vector.shape_cast %reduce_sum3A_162 : vector<256xf32> to vector<256x1xf32>
    %div3A_164 = arith.constant 5.120000e+02 : f32
    %div3A_165 = vector.broadcast %div3A_164 : f32 to vector<256x1xf32>
    %div3A_166 = arith.divf %broadcast_in_dim3A_163, %div3A_165 : vector<256x1xf32>
    %add3A_167 = arith.constant 9.99999974E-6 : f32
    %add3A_168 = vector.broadcast %add3A_167 : f32 to vector<256x1xf32>
    %add3A_169 = arith.addf %div3A_166, %add3A_168 : vector<256x1xf32>
    %rsqrt3A_170 = math.rsqrt %add3A_169 : vector<256x1xf32>
    %mul3A_171 = vector.broadcast %rsqrt3A_170 : vector<256x1xf32> to vector<256x512xf32>
    %mul3A_172 = arith.mulf %sub3A_159, %mul3A_171 : vector<256x512xf32>
    %get3A_173 = arith.constant 0 : index
    %get3A_174 = arith.constant 0 : index
    %get3A_175 = vector.load %arg13[%get3A_173, %get3A_174] : memref<1x512xf32, #tpu.memory_space<vmem>>, vector<1x512xf32>
    %mul3A_176 = vector.broadcast %get3A_175 : vector<1x512xf32> to vector<256x512xf32>
    %mul3A_177 = arith.mulf %mul3A_172, %mul3A_176 : vector<256x512xf32>
    %get3A_178 = arith.constant 0 : index
    %get3A_179 = arith.constant 0 : index
    %get3A_180 = vector.load %arg14[%get3A_178, %get3A_179] : memref<1x512xf32, #tpu.memory_space<vmem>>, vector<1x512xf32>
    %add3A_181 = vector.broadcast %get3A_180 : vector<1x512xf32> to vector<256x512xf32>
    %add3A_182 = arith.addf %mul3A_177, %add3A_181 : vector<256x512xf32>
    %max3A_183 = arith.constant 0.000000e+00 : f32
    %max3A_184 = vector.broadcast %max3A_183 : f32 to vector<256x512xf32>
    %max3A_185 = arith.maximumf %add3A_182, %max3A_184 : vector<256x512xf32>
    %get3A_186 = arith.constant 0 : index
    %get3A_187 = arith.constant 0 : index
    %get3A_188 = vector.load %arg15[%get3A_186, %get3A_187] : memref<512x32xf32, #tpu.memory_space<vmem>>, vector<512x32xf32>
    %dot_general3A_189 = arith.constant dense<0.000000e+00> : vector<256x32xf32>
    %dot_general3A_190 = tpu.matmul %max3A_185, %get3A_188, %dot_general3A_189 {dimension_numbers = #tpu.dot_dimension_numbers<[1], [0], [0], [1], [0, 0, 1, 1], [], []>, transpose_lhs_hint = false} : vector<256x512xf32>, vector<512x32xf32>, vector<256x32xf32> -> vector<256x32xf32>
    %get3A_191 = arith.constant 0 : index
    %get3A_192 = arith.constant 0 : index
    %get3A_193 = vector.load %arg16[%get3A_191, %get3A_192] : memref<1x32xf32, #tpu.memory_space<vmem>>, vector<1x32xf32>
    %add3A_194 = vector.broadcast %get3A_193 : vector<1x32xf32> to vector<256x32xf32>
    %add3A_195 = arith.addf %dot_general3A_190, %add3A_194 : vector<256x32xf32>
    %swap3A_196 = arith.constant 1 : index
    %swap3A_197 = arith.constant 0 : index
    %swap3A_198 = arith.constant 0 : index
    %swap3A_199 = vector.load %arg17[%swap3A_196, %swap3A_197, %swap3A_198] : memref<5x256x32xf32, #tpu.memory_space<vmem>>, vector<1x256x32xf32>
    %swap3A_200 = vector.shape_cast %swap3A_199 : vector<1x256x32xf32> to vector<256x32xf32>
    %swap3A_201 = vector.shape_cast %add3A_195 : vector<256x32xf32> to vector<1x256x32xf32>
    tpu.vector_store %arg17[%swap3A_196, %swap3A_197, %swap3A_198], %swap3A_201 {strides = array<i32>} : memref<5x256x32xf32, #tpu.memory_space<vmem>>, vector<1x256x32xf32>,
    %slice3A_202 = vector.extract_strided_slice %logistic3A_56 {offsets = [0, 50], sizes = [256, 25], strides = [1, 1]} : vector<256x125xf32> to vector<256x25xf32>
    %get3A_203 = arith.constant 0 : index
    %get3A_204 = arith.constant 0 : index
    %get3A_205 = vector.load %arg9[%get3A_203, %get3A_204] : memref<25x512xf32, #tpu.memory_space<vmem>>, vector<25x512xf32>
    %dot_general3A_206 = arith.constant dense<0.000000e+00> : vector<256x512xf32>
    %dot_general3A_207 = tpu.matmul %slice3A_202, %get3A_205, %dot_general3A_206 {dimension_numbers = #tpu.dot_dimension_numbers<[1], [0], [0], [1], [0, 0, 1, 1], [], []>, transpose_lhs_hint = false} : vector<256x25xf32>, vector<25x512xf32>, vector<256x512xf32> -> vector<256x512xf32>
    %get3A_208 = arith.constant 0 : index
    %get3A_209 = arith.constant 0 : index
    %get3A_210 = vector.load %arg10[%get3A_208, %get3A_209] : memref<1x512xf32, #tpu.memory_space<vmem>>, vector<1x512xf32>
    %add3A_211 = vector.broadcast %get3A_210 : vector<1x512xf32> to vector<256x512xf32>
    %add3A_212 = arith.addf %dot_general3A_207, %add3A_211 : vector<256x512xf32>
    %max3A_213 = arith.constant 0.000000e+00 : f32
    %max3A_214 = vector.broadcast %max3A_213 : f32 to vector<256x512xf32>
    %max3A_215 = arith.maximumf %add3A_212, %max3A_214 : vector<256x512xf32>
    %get3A_216 = arith.constant 0 : index
    %get3A_217 = arith.constant 0 : index
    %get3A_218 = vector.load %arg11[%get3A_216, %get3A_217] : memref<512x512xf32, #tpu.memory_space<vmem>>, vector<512x512xf32>
    %dot_general3A_219 = arith.constant dense<0.000000e+00> : vector<256x512xf32>
    %dot_general3A_220 = tpu.matmul %max3A_215, %get3A_218, %dot_general3A_219 {dimension_numbers = #tpu.dot_dimension_numbers<[1], [0], [0], [1], [0, 0, 1, 1], [], []>, transpose_lhs_hint = false} : vector<256x512xf32>, vector<512x512xf32>, vector<256x512xf32> -> vector<256x512xf32>
    %get3A_221 = arith.constant 0 : index
    %get3A_222 = arith.constant 0 : index
    %get3A_223 = vector.load %arg12[%get3A_221, %get3A_222] : memref<1x512xf32, #tpu.memory_space<vmem>>, vector<1x512xf32>
    %add3A_224 = vector.broadcast %get3A_223 : vector<1x512xf32> to vector<256x512xf32>
    %add3A_225 = arith.addf %dot_general3A_220, %add3A_224 : vector<256x512xf32>
    %reduce_sum3A_226 = arith.constant dense<0.000000e+00> : vector<256xf32>
    %reduce_sum3A_227 = vector.multi_reduction <add>, %add3A_225, %reduce_sum3A_226 [1] : vector<256x512xf32> to vector<256xf32>
    %broadcast_in_dim3A_228 = vector.shape_cast %reduce_sum3A_227 : vector<256xf32> to vector<256x1xf32>
    %div3A_229 = arith.constant 5.120000e+02 : f32
    %div3A_230 = vector.broadcast %div3A_229 : f32 to vector<256x1xf32>
    %div3A_231 = arith.divf %broadcast_in_dim3A_228, %div3A_230 : vector<256x1xf32>
    %sub3A_232 = vector.broadcast %div3A_231 : vector<256x1xf32> to vector<256x512xf32>
    %sub3A_233 = arith.subf %add3A_225, %sub3A_232 : vector<256x512xf32>
    %mul3A_234 = arith.mulf %sub3A_233, %sub3A_233 : vector<256x512xf32>
    %reduce_sum3A_235 = arith.constant dense<0.000000e+00> : vector<256xf32>
    %reduce_sum3A_236 = vector.multi_reduction <add>, %mul3A_234, %reduce_sum3A_235 [1] : vector<256x512xf32> to vector<256xf32>
    %broadcast_in_dim3A_237 = vector.shape_cast %reduce_sum3A_236 : vector<256xf32> to vector<256x1xf32>
    %div3A_238 = arith.constant 5.120000e+02 : f32
    %div3A_239 = vector.broadcast %div3A_238 : f32 to vector<256x1xf32>
    %div3A_240 = arith.divf %broadcast_in_dim3A_237, %div3A_239 : vector<256x1xf32>
    %add3A_241 = arith.constant 9.99999974E-6 : f32
    %add3A_242 = vector.broadcast %add3A_241 : f32 to vector<256x1xf32>
    %add3A_243 = arith.addf %div3A_240, %add3A_242 : vector<256x1xf32>
    %rsqrt3A_244 = math.rsqrt %add3A_243 : vector<256x1xf32>
    %mul3A_245 = vector.broadcast %rsqrt3A_244 : vector<256x1xf32> to vector<256x512xf32>
    %mul3A_246 = arith.mulf %sub3A_233, %mul3A_245 : vector<256x512xf32>
    %get3A_247 = arith.constant 0 : index
    %get3A_248 = arith.constant 0 : index
    %get3A_249 = vector.load %arg13[%get3A_247, %get3A_248] : memref<1x512xf32, #tpu.memory_space<vmem>>, vector<1x512xf32>
    %mul3A_250 = vector.broadcast %get3A_249 : vector<1x512xf32> to vector<256x512xf32>
    %mul3A_251 = arith.mulf %mul3A_246, %mul3A_250 : vector<256x512xf32>
    %get3A_252 = arith.constant 0 : index
    %get3A_253 = arith.constant 0 : index
    %get3A_254 = vector.load %arg14[%get3A_252, %get3A_253] : memref<1x512xf32, #tpu.memory_space<vmem>>, vector<1x512xf32>
    %add3A_255 = vector.broadcast %get3A_254 : vector<1x512xf32> to vector<256x512xf32>
    %add3A_256 = arith.addf %mul3A_251, %add3A_255 : vector<256x512xf32>
    %max3A_257 = arith.constant 0.000000e+00 : f32
    %max3A_258 = vector.broadcast %max3A_257 : f32 to vector<256x512xf32>
    %max3A_259 = arith.maximumf %add3A_256, %max3A_258 : vector<256x512xf32>
    %get3A_260 = arith.constant 0 : index
    %get3A_261 = arith.constant 0 : index
    %get3A_262 = vector.load %arg15[%get3A_260, %get3A_261] : memref<512x32xf32, #tpu.memory_space<vmem>>, vector<512x32xf32>
    %dot_general3A_263 = arith.constant dense<0.000000e+00> : vector<256x32xf32>
    %dot_general3A_264 = tpu.matmul %max3A_259, %get3A_262, %dot_general3A_263 {dimension_numbers = #tpu.dot_dimension_numbers<[1], [0], [0], [1], [0, 0, 1, 1], [], []>, transpose_lhs_hint = false} : vector<256x512xf32>, vector<512x32xf32>, vector<256x32xf32> -> vector<256x32xf32>
    %get3A_265 = arith.constant 0 : index
    %get3A_266 = arith.constant 0 : index
    %get3A_267 = vector.load %arg16[%get3A_265, %get3A_266] : memref<1x32xf32, #tpu.memory_space<vmem>>, vector<1x32xf32>
    %add3A_268 = vector.broadcast %get3A_267 : vector<1x32xf32> to vector<256x32xf32>
    %add3A_269 = arith.addf %dot_general3A_264, %add3A_268 : vector<256x32xf32>
    %swap3A_270 = arith.constant 2 : index
    %swap3A_271 = arith.constant 0 : index
    %swap3A_272 = arith.constant 0 : index
    %swap3A_273 = vector.load %arg17[%swap3A_270, %swap3A_271, %swap3A_272] : memref<5x256x32xf32, #tpu.memory_space<vmem>>, vector<1x256x32xf32>
    %swap3A_274 = vector.shape_cast %swap3A_273 : vector<1x256x32xf32> to vector<256x32xf32>
    %swap3A_275 = vector.shape_cast %add3A_269 : vector<256x32xf32> to vector<1x256x32xf32>
    tpu.vector_store %arg17[%swap3A_270, %swap3A_271, %swap3A_272], %swap3A_275 {strides = array<i32>} : memref<5x256x32xf32, #tpu.memory_space<vmem>>, vector<1x256x32xf32>,
    %slice3A_276 = vector.extract_strided_slice %logistic3A_56 {offsets = [0, 75], sizes = [256, 25], strides = [1, 1]} : vector<256x125xf32> to vector<256x25xf32>
    %get3A_277 = arith.constant 0 : index
    %get3A_278 = arith.constant 0 : index
    %get3A_279 = vector.load %arg9[%get3A_277, %get3A_278] : memref<25x512xf32, #tpu.memory_space<vmem>>, vector<25x512xf32>
    %dot_general3A_280 = arith.constant dense<0.000000e+00> : vector<256x512xf32>
    %dot_general3A_281 = tpu.matmul %slice3A_276, %get3A_279, %dot_general3A_280 {dimension_numbers = #tpu.dot_dimension_numbers<[1], [0], [0], [1], [0, 0, 1, 1], [], []>, transpose_lhs_hint = false} : vector<256x25xf32>, vector<25x512xf32>, vector<256x512xf32> -> vector<256x512xf32>
    %get3A_282 = arith.constant 0 : index
    %get3A_283 = arith.constant 0 : index
    %get3A_284 = vector.load %arg10[%get3A_282, %get3A_283] : memref<1x512xf32, #tpu.memory_space<vmem>>, vector<1x512xf32>
    %add3A_285 = vector.broadcast %get3A_284 : vector<1x512xf32> to vector<256x512xf32>
    %add3A_286 = arith.addf %dot_general3A_281, %add3A_285 : vector<256x512xf32>
    %max3A_287 = arith.constant 0.000000e+00 : f32
    %max3A_288 = vector.broadcast %max3A_287 : f32 to vector<256x512xf32>
    %max3A_289 = arith.maximumf %add3A_286, %max3A_288 : vector<256x512xf32>
    %get3A_290 = arith.constant 0 : index
    %get3A_291 = arith.constant 0 : index
    %get3A_292 = vector.load %arg11[%get3A_290, %get3A_291] : memref<512x512xf32, #tpu.memory_space<vmem>>, vector<512x512xf32>
    %dot_general3A_293 = arith.constant dense<0.000000e+00> : vector<256x512xf32>
    %dot_general3A_294 = tpu.matmul %max3A_289, %get3A_292, %dot_general3A_293 {dimension_numbers = #tpu.dot_dimension_numbers<[1], [0], [0], [1], [0, 0, 1, 1], [], []>, transpose_lhs_hint = false} : vector<256x512xf32>, vector<512x512xf32>, vector<256x512xf32> -> vector<256x512xf32>
    %get3A_295 = arith.constant 0 : index
    %get3A_296 = arith.constant 0 : index
    %get3A_297 = vector.load %arg12[%get3A_295, %get3A_296] : memref<1x512xf32, #tpu.memory_space<vmem>>, vector<1x512xf32>
    %add3A_298 = vector.broadcast %get3A_297 : vector<1x512xf32> to vector<256x512xf32>
    %add3A_299 = arith.addf %dot_general3A_294, %add3A_298 : vector<256x512xf32>
    %reduce_sum3A_300 = arith.constant dense<0.000000e+00> : vector<256xf32>
    %reduce_sum3A_301 = vector.multi_reduction <add>, %add3A_299, %reduce_sum3A_300 [1] : vector<256x512xf32> to vector<256xf32>
    %broadcast_in_dim3A_302 = vector.shape_cast %reduce_sum3A_301 : vector<256xf32> to vector<256x1xf32>
    %div3A_303 = arith.constant 5.120000e+02 : f32
    %div3A_304 = vector.broadcast %div3A_303 : f32 to vector<256x1xf32>
    %div3A_305 = arith.divf %broadcast_in_dim3A_302, %div3A_304 : vector<256x1xf32>
    %sub3A_306 = vector.broadcast %div3A_305 : vector<256x1xf32> to vector<256x512xf32>
    %sub3A_307 = arith.subf %add3A_299, %sub3A_306 : vector<256x512xf32>
    %mul3A_308 = arith.mulf %sub3A_307, %sub3A_307 : vector<256x512xf32>
    %reduce_sum3A_309 = arith.constant dense<0.000000e+00> : vector<256xf32>
    %reduce_sum3A_310 = vector.multi_reduction <add>, %mul3A_308, %reduce_sum3A_309 [1] : vector<256x512xf32> to vector<256xf32>
    %broadcast_in_dim3A_311 = vector.shape_cast %reduce_sum3A_310 : vector<256xf32> to vector<256x1xf32>
    %div3A_312 = arith.constant 5.120000e+02 : f32
    %div3A_313 = vector.broadcast %div3A_312 : f32 to vector<256x1xf32>
    %div3A_314 = arith.divf %broadcast_in_dim3A_311, %div3A_313 : vector<256x1xf32>
    %add3A_315 = arith.constant 9.99999974E-6 : f32
    %add3A_316 = vector.broadcast %add3A_315 : f32 to vector<256x1xf32>
    %add3A_317 = arith.addf %div3A_314, %add3A_316 : vector<256x1xf32>
    %rsqrt3A_318 = math.rsqrt %add3A_317 : vector<256x1xf32>
    %mul3A_319 = vector.broadcast %rsqrt3A_318 : vector<256x1xf32> to vector<256x512xf32>
    %mul3A_320 = arith.mulf %sub3A_307, %mul3A_319 : vector<256x512xf32>
    %get3A_321 = arith.constant 0 : index
    %get3A_322 = arith.constant 0 : index
    %get3A_323 = vector.load %arg13[%get3A_321, %get3A_322] : memref<1x512xf32, #tpu.memory_space<vmem>>, vector<1x512xf32>
    %mul3A_324 = vector.broadcast %get3A_323 : vector<1x512xf32> to vector<256x512xf32>
    %mul3A_325 = arith.mulf %mul3A_320, %mul3A_324 : vector<256x512xf32>
    %get3A_326 = arith.constant 0 : index
    %get3A_327 = arith.constant 0 : index
    %get3A_328 = vector.load %arg14[%get3A_326, %get3A_327] : memref<1x512xf32, #tpu.memory_space<vmem>>, vector<1x512xf32>
    %add3A_329 = vector.broadcast %get3A_328 : vector<1x512xf32> to vector<256x512xf32>
    %add3A_330 = arith.addf %mul3A_325, %add3A_329 : vector<256x512xf32>
    %max3A_331 = arith.constant 0.000000e+00 : f32
    %max3A_332 = vector.broadcast %max3A_331 : f32 to vector<256x512xf32>
    %max3A_333 = arith.maximumf %add3A_330, %max3A_332 : vector<256x512xf32>
    %get3A_334 = arith.constant 0 : index
    %get3A_335 = arith.constant 0 : index
    %get3A_336 = vector.load %arg15[%get3A_334, %get3A_335] : memref<512x32xf32, #tpu.memory_space<vmem>>, vector<512x32xf32>
    %dot_general3A_337 = arith.constant dense<0.000000e+00> : vector<256x32xf32>
    %dot_general3A_338 = tpu.matmul %max3A_333, %get3A_336, %dot_general3A_337 {dimension_numbers = #tpu.dot_dimension_numbers<[1], [0], [0], [1], [0, 0, 1, 1], [], []>, transpose_lhs_hint = false} : vector<256x512xf32>, vector<512x32xf32>, vector<256x32xf32> -> vector<256x32xf32>
    %get3A_339 = arith.constant 0 : index
    %get3A_340 = arith.constant 0 : index
    %get3A_341 = vector.load %arg16[%get3A_339, %get3A_340] : memref<1x32xf32, #tpu.memory_space<vmem>>, vector<1x32xf32>
    %add3A_342 = vector.broadcast %get3A_341 : vector<1x32xf32> to vector<256x32xf32>
    %add3A_343 = arith.addf %dot_general3A_338, %add3A_342 : vector<256x32xf32>
    %swap3A_344 = arith.constant 3 : index
    %swap3A_345 = arith.constant 0 : index
    %swap3A_346 = arith.constant 0 : index
    %swap3A_347 = vector.load %arg17[%swap3A_344, %swap3A_345, %swap3A_346] : memref<5x256x32xf32, #tpu.memory_space<vmem>>, vector<1x256x32xf32>
    %swap3A_348 = vector.shape_cast %swap3A_347 : vector<1x256x32xf32> to vector<256x32xf32>
    %swap3A_349 = vector.shape_cast %add3A_343 : vector<256x32xf32> to vector<1x256x32xf32>
    tpu.vector_store %arg17[%swap3A_344, %swap3A_345, %swap3A_346], %swap3A_349 {strides = array<i32>} : memref<5x256x32xf32, #tpu.memory_space<vmem>>, vector<1x256x32xf32>,
    %slice3A_350 = vector.extract_strided_slice %logistic3A_56 {offsets = [0, 100], sizes = [256, 25], strides = [1, 1]} : vector<256x125xf32> to vector<256x25xf32>
    %get3A_351 = arith.constant 0 : index
    %get3A_352 = arith.constant 0 : index
    %get3A_353 = vector.load %arg9[%get3A_351, %get3A_352] : memref<25x512xf32, #tpu.memory_space<vmem>>, vector<25x512xf32>
    %dot_general3A_354 = arith.constant dense<0.000000e+00> : vector<256x512xf32>
    %dot_general3A_355 = tpu.matmul %slice3A_350, %get3A_353, %dot_general3A_354 {dimension_numbers = #tpu.dot_dimension_numbers<[1], [0], [0], [1], [0, 0, 1, 1], [], []>, transpose_lhs_hint = false} : vector<256x25xf32>, vector<25x512xf32>, vector<256x512xf32> -> vector<256x512xf32>
    %get3A_356 = arith.constant 0 : index
    %get3A_357 = arith.constant 0 : index
    %get3A_358 = vector.load %arg10[%get3A_356, %get3A_357] : memref<1x512xf32, #tpu.memory_space<vmem>>, vector<1x512xf32>
    %add3A_359 = vector.broadcast %get3A_358 : vector<1x512xf32> to vector<256x512xf32>
    %add3A_360 = arith.addf %dot_general3A_355, %add3A_359 : vector<256x512xf32>
    %max3A_361 = arith.constant 0.000000e+00 : f32
    %max3A_362 = vector.broadcast %max3A_361 : f32 to vector<256x512xf32>
    %max3A_363 = arith.maximumf %add3A_360, %max3A_362 : vector<256x512xf32>
    %get3A_364 = arith.constant 0 : index
    %get3A_365 = arith.constant 0 : index
    %get3A_366 = vector.load %arg11[%get3A_364, %get3A_365] : memref<512x512xf32, #tpu.memory_space<vmem>>, vector<512x512xf32>
    %dot_general3A_367 = arith.constant dense<0.000000e+00> : vector<256x512xf32>
    %dot_general3A_368 = tpu.matmul %max3A_363, %get3A_366, %dot_general3A_367 {dimension_numbers = #tpu.dot_dimension_numbers<[1], [0], [0], [1], [0, 0, 1, 1], [], []>, transpose_lhs_hint = false} : vector<256x512xf32>, vector<512x512xf32>, vector<256x512xf32> -> vector<256x512xf32>
    %get3A_369 = arith.constant 0 : index
    %get3A_370 = arith.constant 0 : index
    %get3A_371 = vector.load %arg12[%get3A_369, %get3A_370] : memref<1x512xf32, #tpu.memory_space<vmem>>, vector<1x512xf32>
    %add3A_372 = vector.broadcast %get3A_371 : vector<1x512xf32> to vector<256x512xf32>
    %add3A_373 = arith.addf %dot_general3A_368, %add3A_372 : vector<256x512xf32>
    %reduce_sum3A_374 = arith.constant dense<0.000000e+00> : vector<256xf32>
    %reduce_sum3A_375 = vector.multi_reduction <add>, %add3A_373, %reduce_sum3A_374 [1] : vector<256x512xf32> to vector<256xf32>
    %broadcast_in_dim3A_376 = vector.shape_cast %reduce_sum3A_375 : vector<256xf32> to vector<256x1xf32>
    %div3A_377 = arith.constant 5.120000e+02 : f32
    %div3A_378 = vector.broadcast %div3A_377 : f32 to vector<256x1xf32>
    %div3A_379 = arith.divf %broadcast_in_dim3A_376, %div3A_378 : vector<256x1xf32>
    %sub3A_380 = vector.broadcast %div3A_379 : vector<256x1xf32> to vector<256x512xf32>
    %sub3A_381 = arith.subf %add3A_373, %sub3A_380 : vector<256x512xf32>
    %mul3A_382 = arith.mulf %sub3A_381, %sub3A_381 : vector<256x512xf32>
    %reduce_sum3A_383 = arith.constant dense<0.000000e+00> : vector<256xf32>
    %reduce_sum3A_384 = vector.multi_reduction <add>, %mul3A_382, %reduce_sum3A_383 [1] : vector<256x512xf32> to vector<256xf32>
    %broadcast_in_dim3A_385 = vector.shape_cast %reduce_sum3A_384 : vector<256xf32> to vector<256x1xf32>
    %div3A_386 = arith.constant 5.120000e+02 : f32
    %div3A_387 = vector.broadcast %div3A_386 : f32 to vector<256x1xf32>
    %div3A_388 = arith.divf %broadcast_in_dim3A_385, %div3A_387 : vector<256x1xf32>
    %add3A_389 = arith.constant 9.99999974E-6 : f32
    %add3A_390 = vector.broadcast %add3A_389 : f32 to vector<256x1xf32>
    %add3A_391 = arith.addf %div3A_388, %add3A_390 : vector<256x1xf32>
    %rsqrt3A_392 = math.rsqrt %add3A_391 : vector<256x1xf32>
    %mul3A_393 = vector.broadcast %rsqrt3A_392 : vector<256x1xf32> to vector<256x512xf32>
    %mul3A_394 = arith.mulf %sub3A_381, %mul3A_393 : vector<256x512xf32>
    %get3A_395 = arith.constant 0 : index
    %get3A_396 = arith.constant 0 : index
    %get3A_397 = vector.load %arg13[%get3A_395, %get3A_396] : memref<1x512xf32, #tpu.memory_space<vmem>>, vector<1x512xf32>
    %mul3A_398 = vector.broadcast %get3A_397 : vector<1x512xf32> to vector<256x512xf32>
    %mul3A_399 = arith.mulf %mul3A_394, %mul3A_398 : vector<256x512xf32>
    %get3A_400 = arith.constant 0 : index
    %get3A_401 = arith.constant 0 : index
    %get3A_402 = vector.load %arg14[%get3A_400, %get3A_401] : memref<1x512xf32, #tpu.memory_space<vmem>>, vector<1x512xf32>
    %add3A_403 = vector.broadcast %get3A_402 : vector<1x512xf32> to vector<256x512xf32>
    %add3A_404 = arith.addf %mul3A_399, %add3A_403 : vector<256x512xf32>
    %max3A_405 = arith.constant 0.000000e+00 : f32
    %max3A_406 = vector.broadcast %max3A_405 : f32 to vector<256x512xf32>
    %max3A_407 = arith.maximumf %add3A_404, %max3A_406 : vector<256x512xf32>
    %get3A_408 = arith.constant 0 : index
    %get3A_409 = arith.constant 0 : index
    %get3A_410 = vector.load %arg15[%get3A_408, %get3A_409] : memref<512x32xf32, #tpu.memory_space<vmem>>, vector<512x32xf32>
    %dot_general3A_411 = arith.constant dense<0.000000e+00> : vector<256x32xf32>
    %dot_general3A_412 = tpu.matmul %max3A_407, %get3A_410, %dot_general3A_411 {dimension_numbers = #tpu.dot_dimension_numbers<[1], [0], [0], [1], [0, 0, 1, 1], [], []>, transpose_lhs_hint = false} : vector<256x512xf32>, vector<512x32xf32>, vector<256x32xf32> -> vector<256x32xf32>
    %get3A_413 = arith.constant 0 : index
    %get3A_414 = arith.constant 0 : index
    %get3A_415 = vector.load %arg16[%get3A_413, %get3A_414] : memref<1x32xf32, #tpu.memory_space<vmem>>, vector<1x32xf32>
    %add3A_416 = vector.broadcast %get3A_415 : vector<1x32xf32> to vector<256x32xf32>
    %add3A_417 = arith.addf %dot_general3A_412, %add3A_416 : vector<256x32xf32>
    %swap3A_418 = arith.constant 4 : index
    %swap3A_419 = arith.constant 0 : index
    %swap3A_420 = arith.constant 0 : index
    %swap3A_421 = vector.load %arg17[%swap3A_418, %swap3A_419, %swap3A_420] : memref<5x256x32xf32, #tpu.memory_space<vmem>>, vector<1x256x32xf32>
    %swap3A_422 = vector.shape_cast %swap3A_421 : vector<1x256x32xf32> to vector<256x32xf32>
    %swap3A_423 = vector.shape_cast %add3A_417 : vector<256x32xf32> to vector<1x256x32xf32>
    tpu.vector_store %arg17[%swap3A_418, %swap3A_419, %swap3A_420], %swap3A_423 {strides = array<i32>} : memref<5x256x32xf32, #tpu.memory_space<vmem>>, vector<1x256x32xf32>,
    return
  }
  func.func @transform_0(%arg0: i32) -> (i32, i32) {
    %c0_i32 = arith.constant 0 : i32
    %c0_i32_0 = arith.constant 0 : i32
    return %arg0, %c0_i32 : i32, i32
  }
  func.func @transform_1(%arg0: i32) -> (i32, i32) {
    %c0_i32 = arith.constant 0 : i32
    %c0_i32_0 = arith.constant 0 : i32
    %c0_i32_1 = arith.constant 0 : i32
    return %c0_i32, %c0_i32_0 : i32, i32
  }
  func.func @transform_2(%arg0: i32) -> (i32, i32) {
    %c0_i32 = arith.constant 0 : i32
    %c0_i32_0 = arith.constant 0 : i32
    %c0_i32_1 = arith.constant 0 : i32
    return %c0_i32, %c0_i32_0 : i32, i32
  }
  func.func @transform_3(%arg0: i32) -> (i32, i32) {
    %c0_i32 = arith.constant 0 : i32
    %c0_i32_0 = arith.constant 0 : i32
    %c0_i32_1 = arith.constant 0 : i32
    return %c0_i32, %c0_i32_0 : i32, i32
  }
  func.func @transform_4(%arg0: i32) -> (i32, i32) {
    %c0_i32 = arith.constant 0 : i32
    %c0_i32_0 = arith.constant 0 : i32
    %c0_i32_1 = arith.constant 0 : i32
    return %c0_i32, %c0_i32_0 : i32, i32
  }
  func.func @transform_5(%arg0: i32) -> (i32, i32) {
    %c0_i32 = arith.constant 0 : i32
    %c0_i32_0 = arith.constant 0 : i32
    %c0_i32_1 = arith.constant 0 : i32
    return %c0_i32, %c0_i32_0 : i32, i32
  }
  func.func @transform_6(%arg0: i32) -> (i32, i32) {
    %c0_i32 = arith.constant 0 : i32
    %c0_i32_0 = arith.constant 0 : i32
    %c0_i32_1 = arith.constant 0 : i32
    return %c0_i32, %c0_i32_0 : i32, i32
  }
  func.func @transform_7(%arg0: i32) -> (i32, i32) {
    %c0_i32 = arith.constant 0 : i32
    %c0_i32_0 = arith.constant 0 : i32
    %c0_i32_1 = arith.constant 0 : i32
    return %c0_i32, %c0_i32_0 : i32, i32
  }
  func.func @transform_8(%arg0: i32) -> (i32, i32) {
    %c0_i32 = arith.constant 0 : i32
    %c0_i32_0 = arith.constant 0 : i32
    %c0_i32_1 = arith.constant 0 : i32
    return %c0_i32, %c0_i32_0 : i32, i32
  }
  func.func @transform_9(%arg0: i32) -> (i32, i32) {
    %c0_i32 = arith.constant 0 : i32
    %c0_i32_0 = arith.constant 0 : i32
    %c0_i32_1 = arith.constant 0 : i32
    return %c0_i32, %c0_i32_0 : i32, i32
  }
  func.func @transform_10(%arg0: i32) -> (i32, i32) {
    %c0_i32 = arith.constant 0 : i32
    %c0_i32_0 = arith.constant 0 : i32
    %c0_i32_1 = arith.constant 0 : i32
    return %c0_i32, %c0_i32_0 : i32, i32
  }
  func.func @transform_11(%arg0: i32) -> (i32, i32) {
    %c0_i32 = arith.constant 0 : i32
    %c0_i32_0 = arith.constant 0 : i32
    %c0_i32_1 = arith.constant 0 : i32
    return %c0_i32, %c0_i32_0 : i32, i32
  }
  func.func @transform_12(%arg0: i32) -> (i32, i32) {
    %c0_i32 = arith.constant 0 : i32
    %c0_i32_0 = arith.constant 0 : i32
    %c0_i32_1 = arith.constant 0 : i32
    return %c0_i32, %c0_i32_0 : i32, i32
  }
  func.func @transform_13(%arg0: i32) -> (i32, i32) {
    %c0_i32 = arith.constant 0 : i32
    %c0_i32_0 = arith.constant 0 : i32
    %c0_i32_1 = arith.constant 0 : i32
    return %c0_i32, %c0_i32_0 : i32, i32
  }
  func.func @transform_14(%arg0: i32) -> (i32, i32) {
    %c0_i32 = arith.constant 0 : i32
    %c0_i32_0 = arith.constant 0 : i32
    %c0_i32_1 = arith.constant 0 : i32
    return %c0_i32, %c0_i32_0 : i32, i32
  }
  func.func @transform_15(%arg0: i32) -> (i32, i32) {
    %c0_i32 = arith.constant 0 : i32
    %c0_i32_0 = arith.constant 0 : i32
    %c0_i32_1 = arith.constant 0 : i32
    return %c0_i32, %c0_i32_0 : i32, i32
  }
  func.func @transform_16(%arg0: i32) -> (i32, i32, i32) {
    %c0_i32 = arith.constant 0 : i32
    %c0_i32_0 = arith.constant 0 : i32
    %c0_i32_1 = arith.constant 0 : i32
    return %c0_i32, %arg0, %c0_i32_0 : i32, i32, i32
  }
}

</mosaic_0001>

<sc_bundles>
// kernel: sparse-core-data-format-call.cloned.1.call-start
scs
called_computation_lowered:
.L_overlay_start_0:
0x0: {  	s1 =	sld [smem:$0x3FD9]  }
0x1: {  	s2 =	sld [smem:$0x3FFE];
	_ =	sdelay $0x1  }
0x2: {  	s3 =	srdreg.scid  }
0x3: {  	s0 =	sand.u32 $0x1, s3  }
0x4: {  	s17 =	sshll.u32 s0, $0xA;
	s1 =	sadd.s32 s2, s1  }
0x5: {  	s1 =	sadd.s32 s1, s17  }
0x6: {  	[smem:$0x3FB9] =	sst s1  }
0x7: {  	_ = 	snop  }
0x8: {  	(tm) =	ssettm $0x1  }
0x9: {  	s18 =	sld [smem:$0x3FFB];
	_ =	sdelay $0x3  }
0xa: {  	_ =	strace s18  }
0xb: {  	s1 =	sld [smem:$0x3FFC];
	_ =	sdelay $0x3  }
0xc: {  	_ =	strace s1  }
0xd: {  	s1 =	sld [smem:$0x3FFD];
	_ =	sdelay $0x3  }
0xe: {  	_ =	strace s1  }
0xf: {  	_ =	strace $0x8FFFFFFF  }
0x10: {  	s19 =	sld [smem:$0x3FDB];
	_ =	sdelay $0x1  }
0x11: {  	s20 =	simm.s32 $_scs_section_size  }
0x12: {  	s4 =	simm.s32 $_size__tile_overlayer_lowered;
	s5 =	simm.s32 $_tile_overlayer_lowered  }
0x13: {  	s23 =	simm.s32 $0x1BFF;
	s22 =	sshll.u32 s5, $0x1;
	s1 =	sadd.s32 s20, s19  }
0x14: {  	s6 =	simm.s32 $0x0;
	s21 =	sshll.u32 s4, $0x1;
	s4 =	sadd.s32 s22, s1  }
0x15: {  	[timem:s6], [sflag:s23] =	dma.local [hbm:s4], s21  }
0x16: {  	_ =	swait.ge [sflag:s23], s21  }
0x17: {  	s2 =	ssub.s32 $0x0, s21;
	[sflag:s23] =	ssyncset.done $0x0  }
0x18: {  	[sflag:s23] =	ssyncadd.s32 s2;
	_ =	sdelay $0x1  }
0x19: {  	s24 =	simm.s32 $0x1B8B  }
0x1a: {  	_ =	swait.ge [sflag:s24], $0x1  }
0x1b: {  	[sflag:s24] =	ssyncset.done $0x0  }
0x1c: {  	s26 =	simm.s32 $0x1B8E;
	s25 =	sld [smem:$0x3FFE];
	[sflag:s24] =	ssyncadd.s32 $0xFFFFFFFF  }
0x1d: {  	s27 =	simm.s32 $execute0_lowered;
	[smem:$0x3FD2] =	sst s26  }
0x1e: {  	s4 =	sshll.u32 s27, $0x1;
	_ =	strace $0x80000046;
	[dreg:$0x1] =	wrdreg $0xFFFFFFFF  }
0x1f: {  	s28 =	simm.s32 $_size_execute0_lowered;
	s1 =	sadd.s32 s1, s4;
	[dreg:$0x0] =	wrdreg $0x0  }
0x20: {  	s4 =	sshll.u32 s28, $0x1;
	[dreg:$0x2] =	wrdreg s1  }
0x21: {  	[dreg:$0x3] =	wrdreg s4  }
0x22: {  	[dreg:$0x4] =	wrdreg $0xC0  }
0x23: {  	_ =	task [dreg:s6], $0x5FFFF  }
0x24: {  	[dreg:$0x1] =	wrdreg $0xFFFFFFFF  }
0x25: {  	[dreg:$0x0] =	wrdreg $0x60  }
0x26: {  	[dreg:$0x2] =	wrdreg s25  }
0x27: {  	[dreg:$0x3] =	wrdreg $0x9  }
0x28: {  	_ =	task.clear_ibuf [dreg:s6], $0x4FFFF;
	_ =	strace $0x90000046  }
0x29: {  	s29 =	simm.s32 $0x9;
	_ =	strace $0x80000048  }
0x2a: {  	_ =	swait.ge [sflag:s29], $0x1  }
0x2b: {  	[sflag:s29] =	ssyncadd.s32 $0xFFFFFFFF  }
0x2c: {  	_ =	strace $0x90000048  }
0x2d: {  	_ =	sfence  }
0x2e: {  	s30 =	sld [smem:$0x0];
	_ =	sdelay $0x2  }
0x2f: {  	s31 =	sshll.u32 s3, $0xD;
	s3 =	sshrl.u32 s3, $0x2  }
0x30: {  	s2 =	sand.u32 $0x4000, s31;
	s1 =	sadd.s32 s3, s30  }
0x31: {  	s0 =	sor.u32 s2, s0;
	s1 =	sshll.u32 s1, $0x11  }
0x32: {  	s0 =	sor.u32 s1, s0  }
0x33: {  	s0 =	sadd.s32 $0x8F2B, s0  }
0x34: {  	[sflag:s0] =	ssyncadd.remote.s32 $0x1  }
0x35: {  	_ =	sfence.sel $0xFFFF  }
0x36: {  	[dreg:$0x0] =	wrdreg $0xFFFFFFFF;
	(pc) =	sbr.abs _section_cstart, $3  }
0x37: {  	[dreg:$0x1] =	wrdreg $0xFFFFFFFF  }
0x38: {  	_ =	task.clear_ibuf [dreg:s6], $0x2FFFF;
	_ =	strace $0x9FFFFFFF  }
0x39: {  	(tm) =	ssettm $0x7FFFFFFF  }
tec
execute0_lowered:
.L_overlay_start_1:
0x0: {  	(tag) =	ssettag $0x1  }
0x1: {  	s1 =	rddreg [dreg:$0x0]  }
0x2: {  	s0 =	rddreg [dreg:$0x1]  }
0x3: {  	_ =	strace $0x80000047;
	s4 =	srdreg.scid;
	s6 =	simm.s32 $0x2  }
0x4: {  	s11 =	simm.s32 $0x0;
	p0 =	por $0x0, $0x0;
	s7 =	simm.s32 $0x2000  }
.Ltmp0:
0x5: {  	s12 =	simm.s32 $0x0;
	s9 =	simm.s32 $0x0;
	(pc) =	sbr.rel .LBB1_1-.Ltmp0, $4  }
0x6: {  	s2 =	sadd.s32 $0x2200, s1;
	s3 =	sadd.s32 $0x102200, s1;
	s5 =	sshll.u32 s4, $0x4  }
0x7: {  	s1 =	stileid.u32;
	s4 =	simm.s32 $0x1;
	s5 =	sand.u32 $0x10, s5  }
0x8: {  	s8 =	simm.s32 $0x0;
	[sflag:s4] =	ssyncpa.u1 $0x0;
	s5 =	sor.u32 s1, s5  }
0x9: {  	[sflag:s6] =	ssyncpa.u1 $0x0;
	s6 =	simm.s32 $0x800;
	s10 =	smov.u32 s5  }
.LBB1_7:
0xa: {  	s13 =	sadd.s32 $0x10, s9  }
0xb: {  	s11 =	sadd.s32 $0x20, s10;
	s15 =	smov.u32 s10;
	p2 =	sgt.s32 s13, $0x3F  }
0xc: {  	p1 =	slt.u32 s8, $0x2;
	s15 =	smov.u32 @p2 s11  }
0xd: {  	s8 =	sadd.s32 $0x1, s8;
	s13 =	simm.s32 @p2 $0x0;
	p2 =	sgt.s32 s15, $0x7F  }
0xe: {  	s15 =	smov.u32 @p2 s5;
	p2 =	sne.s32 s8, $0x12  }
.Ltmp1:
0xf: {  	_ = 	snop;
	(pc) =	sbr.rel @!p2 .LBB1_8-.Ltmp1, $4  }
0x10: {  	s14 =	simm.s32 @!p1 $0x2  }
0x11: {  	s12 =	smov.u32 s10;
	_ =	swait.ge @!p1 [sflag:s14], $0x4000  }
0x12: {  	p0 =	por !p0, !p0;
	s11 =	smov.u32 s9;
	[sflag:s14] =	ssyncset.done @!p1 $0x0  }
0x13: {  	s9 =	smov.u32 s13;
	[sflag:s14] =	ssyncadd.s32 @!p1 $0xFFFFC000;
	s10 =	smov.u32 s15  }
.LBB1_1:
0x14: {  	p1 =	sgt.u32 s8, $0xF  }
0x15: {  	s13 =	sxor.u32 @!p1 $0xFFFFFFFF, s8;
	s14 =	sshll.u32 @!p1 s10, $0xD  }
0x16: {  	s15 =	sshll.u32 @!p1 s9, $0x7;
	s13 =	sshll.u32 @!p1 s13, $0xE;
	s14 =	sadd.s32 @!p1 s2, s14  }
0x17: {  	s13 =	sand.u32 @!p1 $0x4000, s13;
	s14 =	sadd.s32 @!p1 s15, s14;
	s15 =	simm.s32 @!p1 $0x0  }
0x18: {  	[tilespmem:s13], [sflag:$0x1] =	stream.linear.gather @!p1 [hbm4b:s14+s15], $0x4000, $0x38;
	[tilespmem:$0x10000] =	vst v63  }
0x19: {  	p1 =	seq.s32 s8, $0x0  }
0x1a: {  	p2 =	seq.s32 @!p1 s8, $0x11  }
0x1b: {  	p1 =	por p1, p2  }
.Ltmp2:
0x1c: {  	_ = 	snop;
	(pc) =	sbr.rel @p1 .LBB1_7-.Ltmp2, $1  }
0x1d: {  	_ =	sdelay $0x3  }
0x1e: {  	s13 =	simm.s32 $0x1;
	_ =	swait.ge [sflag:s4], $0x4000;
	s16 =	sshll.u32 s8, $0xE  }
0x1f: {  	s13 =	simm.s32 @!p0 $0x0;
	[sflag:s4] =	ssyncset.done $0x0;
	s31 =	sand.u32 $0x4000, s16  }
0x20: {  	s16 =	simm.s32 $0x0;
	s14 =	sshll.u32 s13, $0xE;
	[sflag:s4] =	ssyncadd.s32 $0xFFFFC000  }
0x21: {  	s13 =	sor.u32 $0x8040, s14;
	s15 =	sor.u32 $0x40, s14;
	s14 =	sor.u32 $0x8000, s31  }
.LBB1_3:
0x22: {  	v0 =	vmov s15;
	_ =	sdelay $0x3  }
0x23: {  	s18 =	simm.s32 $0x0  }
0x24: {  	v6 =	vld.idx.msk [tilespmem:v0+s18+$0x30 ss:$0x1], $0xffff  }
0x25: {  	v7 =	vld.idx.msk [tilespmem:v0+s18+$0xFFFFFFC0 ss:$0x1], $0xffff  }
0x26: {  	v5 =	vld.idx.msk [tilespmem:v0+s18+$0xFFFFFFD0 ss:$0x1], $0xffff  }
0x27: {  	v4 =	vld.idx.msk [tilespmem:v0+s18+$0xFFFFFFE0 ss:$0x1], $0xffff  }
0x28: {  	v3 =	vld.idx.msk [tilespmem:v0+s18+$0xFFFFFFF0 ss:$0x1], $0xffff  }
0x29: {  	v1 =	vld.idx.msk [tilespmem:v0+s18+$0x0 ss:$0x1], $0xffff  }
0x2a: {  	v2 =	vld.idx.msk [tilespmem:v0+s18+$0x10 ss:$0x1], $0xffff;
	[tilespmem:s13+$0x30] =	vst v6  }
0x2b: {  	s17 =	simm.s32 $0x80;
	s19 =	simm.s32 $0x400;
	[tilespmem:s13+$0xFFFFFFC0] =	vst v7;
	v6 =	vld.idx.msk [tilespmem:v0+s18+$0x20 ss:$0x1], $0xffff;
	s18 =	smov.u32 s13  }
.LBB1_4:
0x2c: {  	p1 =	sne.s32 s19, $0xE00;
	v7 =	vld.idx.msk [tilespmem:v0+s17+$0x30 ss:$0x1], $0xffff;
	[tilespmem:s18+$0xFFFFFFD0] =	vst v5  }
0x2d: {  	v8 =	vld.idx.msk [tilespmem:v0+s17+$0xFFFFFFC0 ss:$0x1], $0xffff;
	[tilespmem:s18+$0xFFFFFFE0] =	vst v4  }
0x2e: {  	v5 =	vld.idx.msk [tilespmem:v0+s17+$0xFFFFFFD0 ss:$0x1], $0xffff;
	[tilespmem:s18+$0xFFFFFFF0] =	vst v3  }
.Ltmp3:
0x2f: {  	v4 =	vld.idx.msk [tilespmem:v0+s17+$0xFFFFFFE0 ss:$0x1], $0xffff;
	[tilespmem:s18+$0x0] =	vst v1;
	(pc) =	sbr.rel @p1 .LBB1_4-.Ltmp3, $4  }
0x30: {  	v3 =	vld.idx.msk [tilespmem:v0+s17+$0xFFFFFFF0 ss:$0x1], $0xffff;
	[tilespmem:s18+$0x10] =	vst v2  }
0x31: {  	v1 =	vld.idx.msk [tilespmem:v0+s17+$0x0 ss:$0x1], $0xffff;
	[tilespmem:s18+$0x20] =	vst v6;
	s18 =	sadd.s32 $0x800, s18  }
0x32: {  	v2 =	vld.idx.msk [tilespmem:v0+s17+$0x10 ss:$0x1], $0xffff;
	[tilespmem:s18+$0x30] =	vst v7  }
0x33: {  	[tilespmem:s18+$0xFFFFFFC0] =	vst v8;
	v6 =	vld.idx.msk [tilespmem:v0+s17+$0x20 ss:$0x1], $0xffff;
	s17 =	sshra.s32 s19, $0x2;
	s19 =	sadd.s32 $0x200, s19  }
0x34: {  	_ =	sdelay $0x2  }
0x35: {  	[tilespmem:s18+$0xFFFFFFD0] =	vst v5  }
0x36: {  	v56 =	vld.idx.msk [tilespmem:v0+s17+$0x30 ss:$0x1], $0xffff;
	[tilespmem:s18+$0xFFFFFFE0] =	vst v4  }
0x37: {  	v57 =	vld.idx.msk [tilespmem:v0+s17+$0xFFFFFFC0 ss:$0x1], $0xffff;
	[tilespmem:s18+$0xFFFFFFF0] =	vst v3  }
0x38: {  	v58 =	vld.idx.msk [tilespmem:v0+s17+$0xFFFFFFD0 ss:$0x1], $0xffff;
	[tilespmem:s18+$0x0] =	vst v1  }
0x39: {  	v59 =	vld.idx.msk [tilespmem:v0+s17+$0xFFFFFFE0 ss:$0x1], $0xffff;
	[tilespmem:s18+$0x10] =	vst v2  }
0x3a: {  	v60 =	vld.idx.msk [tilespmem:v0+s17+$0xFFFFFFF0 ss:$0x1], $0xffff;
	s31 =	sadd.s32 $0x800, s18;
	[tilespmem:s18+$0x20] =	vst v6  }
0x3b: {  	v61 =	vld.idx.msk [tilespmem:v0+s17+$0x0 ss:$0x1], $0xffff;
	[tilespmem:s31+$0x30] =	vst v56  }
0x3c: {  	v62 =	vld.idx.msk [tilespmem:v0+s17+$0x10 ss:$0x1], $0xffff;
	s16 =	sadd.s32 $0x1, s16;
	[tilespmem:s31+$0xFFFFFFC0] =	vst v57  }
0x3d: {  	v63 =	vld.idx.msk [tilespmem:v0+s17+$0x20 ss:$0x1], $0xffff;
	p1 =	sne.s32 s16, $0x10;
	[tilespmem:s31+$0xFFFFFFD0] =	vst v58  }
.Ltmp4:
0x3e: {  	[tilespmem:s31+$0xFFFFFFE0] =	vst v59;
	(pc) =	sbr.rel @p1 .LBB1_3-.Ltmp4, $4  }
0x3f: {  	[tilespmem:s31+$0xFFFFFFF0] =	vst v60  }
0x40: {  	[tilespmem:s31+$0x0] =	vst v61  }
0x41: {  	[tilespmem:s31+$0x10] =	vst v62  }
0x42: {  	s13 =	sadd.s32 $0x80, s13;
	s15 =	sadd.s32 $0x400, s15;
	[tilespmem:s31+$0x20] =	vst v63  }
.Ltmp5:
0x43: {  	(pc) =	sbr.rel .LBB1_7-.Ltmp5, $4  }
0x44: {  	s12 =	sshll.u32 s12, $0xD;
	s11 =	sshll.u32 s11, $0x4  }
0x45: {  	s11 =	sand.u32 $0x3F0, s11;
	s12 =	sadd.s32 s3, s12  }
0x46: {  	s11 =	sadd.s32 s11, s12  }
0x47: {  	[hbm4b:s11+s6] =	stream.strided.scatter [tilespmem:s14], [sflag:$0x2], $0x4000, s7, s6, $0x38;
	[tilespmem:$0x10000] =	vst v63  }
.LBB1_8:
0x48: {  	_ =	sfence.sel $0x180000  }
0x49: {  	s2 =	simm.s32 $0x1;
	[bflag:$0x0] =	sbarrier.arrive $0xFFFF  }
0x4a: {  	s31 =	simm.s32 $0x2;
	[sflag:s2] =	ssyncpa.u1 $0x1  }
0x4b: {  	[sflag:s31] =	ssyncpa.u1 $0x1  }
0x4c: {  	p0 =	sne.s32 s1, $0x0;
	_ =	strace $0x90000047  }
0x4d: {  	s0 =	sadd.s32 @!p0 $0x100000, s0;
	[bflag:$0x2] =	sbarrier.arrive $0xFFFF  }
0x4e: {  	[sflag:s0] =	ssyncadd.tile.s32 @!p0 $0x1;
	_ =	shalt  }
.Lfunc_end1:
_tile_overlayer_lowered:
.L_overlay_start_2:
0x4f: {  	(tag) =	ssettag $0x2  }
0x50: {  	s0 =	rddreg [dreg:$0x0];
	s2 =	stileid.u32  }
0x51: {  	s1 =	rddreg [dreg:$0x1];
	p0 =	sne.s32 s2, $0x0  }
0x52: {  	s3 =	rddreg [dreg:$0x2];
	[bflag:$0x3] =	sbarrier.arrive $0xFFFF;
	s2 =	simm.s32 @!p0 $0x1C01  }
0x53: {  	[timem:s3], [sflag:s2] =	dma.local @!p0 [hbm:s0], s1  }
0x54: {  	s0 =	simm.s32 @!p0 $0x1  }
0x55: {  	_ =	swait.ge @!p0 [sflag:s0], s1  }
0x56: {  	s1 =	ssub.s32 @!p0 $0x0, s1;
	[sflag:s0] =	ssyncset.done @!p0 $0x0  }
0x57: {  	[sflag:s0] =	ssyncadd.s32 @!p0 s1  }
0x58: {  	[bflag:$0x3] =	sbarrier.arrive $0xFFFF  }
0x59: {  	_ =	shalt  }

</sc_bundles>
